<compile_context>
chip_gen: v7x
topology: tpu7x:2x2x1
jax: 0.10.2.dev20260603
libtpu: 0.0.44.dev20260713+nightly
codegen_flags: <defaults>
</compile_context>

<pallas_src>
import functools

import jax
import jax.numpy as jnp
from jax import lax
from jax.experimental import pallas as pl
from jax.experimental.pallas import tpu as pltpu
from jax.experimental.pallas import tpu_sc as plsc

N = 10000
E = 320000
IN_CH = 128
HIDDEN = 128
HID2 = 64

NC = 2
NS = 16
NW = NC * NS

N_PAD = 10240
CHUNK = 128
N_CHUNKS = 80
EDGES_PER_W = N_CHUNKS * CHUNK
E_PAD = NW * EDGES_PER_W
ROWS_PER_TILE = N_PAD // NS

_mesh = plsc.VectorSubcoreMesh(core_axis_name="c", subcore_axis_name="s")


@functools.partial(
    pl.kernel,
    mesh=_mesh,
    out_type=jax.ShapeDtypeStruct((NW, N_PAD), jnp.float32),
    scratch_types=[
        pltpu.VMEM((N_CHUNKS, CHUNK), jnp.int32),
        pltpu.VMEM((N_PAD,), jnp.float32),
    ],
    compiler_params=pltpu.CompilerParams(needs_layout_passes=False),
)
def _deg_kernel(dst_hbm, out_hbm, idx_v, dacc):
    c = lax.axis_index("c")
    s = lax.axis_index("s")
    wid = s * NC + c
    zero16 = jnp.zeros((16,), jnp.float32)
    one16 = jnp.ones((16,), jnp.float32)

    def zero_body(i, carry):
        dacc[pl.ds(i * 16, 16)] = zero16
        return carry

    lax.fori_loop(0, N_PAD // 16, zero_body, 0)

    pltpu.sync_copy(dst_hbm.at[pl.ds(wid * N_CHUNKS, N_CHUNKS)], idx_v)

    def inner(j, c2):
        idx = idx_v[j // (CHUNK // 16), pl.ds((j % (CHUNK // 16)) * 16, 16)]
        plsc.addupdate_scatter(dacc, [idx], one16)
        return c2

    lax.fori_loop(0, EDGES_PER_W // 16, inner, 0)
    pltpu.sync_copy(dacc, out_hbm.at[wid])


def _make_agg(D):
    seg = 40 if D >= 128 else N_CHUNKS
    nseg = N_CHUNKS // seg

    @functools.partial(
        pl.kernel,
        mesh=_mesh,
        out_type=jax.ShapeDtypeStruct((NC, N_PAD, D), jnp.float32),
        scratch_types=[
            pltpu.VMEM((seg, CHUNK), jnp.int32),
            pltpu.VMEM((N_CHUNKS, CHUNK), jnp.int32),
            pltpu.VMEM((CHUNK, D), jnp.float32),
            pltpu.VMEM((CHUNK, D), jnp.float32),
            pltpu.VMEM_SHARED((N_PAD, D), jnp.float32),
            pltpu.SemaphoreType.DMA,
            pltpu.SemaphoreType.DMA,
        ],
        compiler_params=pltpu.CompilerParams(
            use_tc_tiling_on_sc=(D % 128 == 0)),
    )
    def agg(src_hbm, dst_hbm, g_hbm, zeros_hbm, out_hbm,
            src_v, dst_v, rows_a, rows_b, acc, sem_a, sem_b):
        c = lax.axis_index("c")
        s = lax.axis_index("s")
        pltpu.sync_copy(zeros_hbm, rows_a)
        row0 = s * ROWS_PER_TILE
        for k in range(ROWS_PER_TILE // CHUNK):
            pltpu.sync_copy(rows_a, acc.at[pl.ds(row0 + k * CHUNK, CHUNK)])

        wid = c * NS + s
        pltpu.sync_copy(dst_hbm.at[pl.ds(wid * N_CHUNKS, N_CHUNKS)], dst_v)
        plsc.subcore_barrier()

        for sg in range(nseg):
            cbase = sg * seg
            pltpu.sync_copy(
                src_hbm.at[pl.ds(wid * N_CHUNKS + cbase, seg)], src_v)
            pltpu.async_copy(g_hbm.at[src_v.at[0]], rows_a, sem_a)

            def pipe_body(g, carry):
                i0 = 2 * g
                pltpu.async_copy(g_hbm.at[src_v.at[i0 + 1]], rows_b, sem_b)
                pltpu.make_async_copy(
                    g_hbm.at[src_v.at[i0]], rows_a, sem_a).wait()
                pltpu.sync_copy(rows_a, acc.at[dst_v.at[cbase + i0]],
                                add=True)

                @pl.when(g < seg // 2 - 1)
                def _():
                    pltpu.async_copy(g_hbm.at[src_v.at[i0 + 2]], rows_a,
                                     sem_a)

                pltpu.make_async_copy(
                    g_hbm.at[src_v.at[i0 + 1]], rows_b, sem_b).wait()
                pltpu.sync_copy(rows_b, acc.at[dst_v.at[cbase + i0 + 1]],
                                add=True)
                return carry

            lax.fori_loop(0, seg // 2, pipe_body, 0)

        plsc.subcore_barrier()
        for k in range(ROWS_PER_TILE // CHUNK):
            r = row0 + k * CHUNK
            pltpu.sync_copy(acc.at[pl.ds(r, CHUNK)], rows_a)
            pltpu.sync_copy(rows_a, out_hbm.at[c, pl.ds(r, CHUNK)])

    return agg


_agg_h = _make_agg(HIDDEN)
_agg_h2 = _make_agg(HID2)


BLK = 256


def _t1_body(x_ref, w1_ref, degs_ref, g_ref, dinv_ref):
    deg = jnp.sum(degs_ref[...], axis=0) + 1.0
    dinv = lax.rsqrt(deg)
    h = lax.dot_general(x_ref[...], w1_ref[...], (((1,), (1,)), ((), ())),
                        preferred_element_type=jnp.float32)
    g_ref[...] = h * dinv[:, None]
    dinv_ref[...] = dinv


_t1 = pl.pallas_call(
    _t1_body,
    grid=(N_PAD // BLK,),
    in_specs=[
        pl.BlockSpec((BLK, IN_CH), lambda i: (i, 0)),
        pl.BlockSpec((HIDDEN, IN_CH), lambda i: (0, 0)),
        pl.BlockSpec((NW, BLK), lambda i: (0, i)),
    ],
    out_specs=[
        pl.BlockSpec((BLK, HIDDEN), lambda i: (i, 0)),
        pl.BlockSpec((BLK,), lambda i: (i,)),
    ],
    out_shape=[
        jax.ShapeDtypeStruct((N_PAD, HIDDEN), jnp.float32),
        jax.ShapeDtypeStruct((N_PAD,), jnp.float32),
    ],
)


def _t2_body(a0_ref, a1_ref, g1_ref, dinv_ref, b1_ref, w2_ref, g2_ref):
    dinv = dinv_ref[...]
    h1 = (a0_ref[...] + a1_ref[...] + g1_ref[...]) * dinv[:, None]
    h1 = jnp.maximum(h1 + b1_ref[...][None, :], 0.0)
    h2 = lax.dot_general(h1, w2_ref[...], (((1,), (1,)), ((), ())),
                         preferred_element_type=jnp.float32)
    g2_ref[...] = h2 * dinv[:, None]


_t2 = pl.pallas_call(
    _t2_body,
    grid=(N_PAD // BLK,),
    in_specs=[
        pl.BlockSpec((BLK, HIDDEN), lambda i: (i, 0)),
        pl.BlockSpec((BLK, HIDDEN), lambda i: (i, 0)),
        pl.BlockSpec((BLK, HIDDEN), lambda i: (i, 0)),
        pl.BlockSpec((BLK,), lambda i: (i,)),
        pl.BlockSpec((HIDDEN,), lambda i: (0,)),
        pl.BlockSpec((HID2, HIDDEN), lambda i: (0, 0)),
    ],
    out_specs=pl.BlockSpec((BLK, HID2), lambda i: (i, 0)),
    out_shape=jax.ShapeDtypeStruct((N_PAD, HID2), jnp.float32),
)


def _t3_body(a0_ref, a1_ref, g2_ref, dinv_ref, b2_ref, wh_ref, bh_ref, out_ref):
    dinv = dinv_ref[...]
    h2 = (a0_ref[...] + a1_ref[...] + g2_ref[...]) * dinv[:, None]
    h2 = jnp.maximum(h2 + b2_ref[...][None, :], 0.0)
    out_ref[...] = jnp.sum(h2 * wh_ref[...][None, :], axis=1) + bh_ref[0]


_t3 = pl.pallas_call(
    _t3_body,
    grid=(N_PAD // BLK,),
    in_specs=[
        pl.BlockSpec((BLK, HID2), lambda i: (i, 0)),
        pl.BlockSpec((BLK, HID2), lambda i: (i, 0)),
        pl.BlockSpec((BLK, HID2), lambda i: (i, 0)),
        pl.BlockSpec((BLK,), lambda i: (i,)),
        pl.BlockSpec((HID2,), lambda i: (0,)),
        pl.BlockSpec((HID2,), lambda i: (0,)),
        pl.BlockSpec((1,), lambda i: (0,)),
    ],
    out_specs=pl.BlockSpec((BLK,), lambda i: (i,)),
    out_shape=jax.ShapeDtypeStruct((N_PAD,), jnp.float32),
)


def kernel(x, edge_index, W1, b1, W2, b2, Wh, bh):
    src = edge_index[0].astype(jnp.int32)
    dst = edge_index[1].astype(jnp.int32)
    dummy = N + (jnp.arange(E_PAD - E, dtype=jnp.int32) % (N_PAD - N))
    src_p = jnp.concatenate([src, dummy]).reshape(NW * N_CHUNKS, CHUNK)
    dst_p = jnp.concatenate([dst, dummy]).reshape(NW * N_CHUNKS, CHUNK)
    x_p = jnp.concatenate(
        [x, jnp.zeros((N_PAD - N, IN_CH), x.dtype)], axis=0)

    degs = _deg_kernel(dst_p)
    g1, dinv = _t1(x_p, W1, degs)
    z_h = jnp.zeros((CHUNK, HIDDEN), jnp.float32)
    agg1 = _agg_h(src_p, dst_p, g1, z_h)
    g2 = _t2(agg1[0], agg1[1], g1, dinv, b1, W2)
    z_h2 = jnp.zeros((CHUNK, HID2), jnp.float32)
    agg2 = _agg_h2(src_p, dst_p, g2, z_h2)
    logits = _t3(agg2[0], agg2[1], g2, dinv, b2, Wh.reshape(-1), bh)
    return logits[:N]

# --- scband reference (transcript-rebuilt; emitter-appended) ---
"""Pipeline reference for scband-infection-predictor-32701880992059 (READ-ONLY COPY).

The authoritative reference and input builder live on the scoring server;
editing this copy changes nothing except your own understanding.
"""

import jax, jax.numpy as jnp
import numpy as np

N = 10000
E = 320000
IN_CH = 128
HIDDEN = 128
HID2 = HIDDEN // 2


def gcn_conv(x, src, dst, W, b, num_nodes):
    # PyG-style GCNConv: add self-loops, symmetric normalization, linear, scatter-add, bias
    loop = jnp.arange(num_nodes, dtype=src.dtype)
    s = jnp.concatenate([src, loop])
    d = jnp.concatenate([dst, loop])
    deg = jnp.zeros((num_nodes,), dtype=x.dtype).at[d].add(1.0)
    dinv = jnp.where(deg > 0, jax.lax.rsqrt(deg), 0.0)
    norm = dinv[s] * dinv[d]
    h = x @ W.T
    msg = h[s] * norm[:, None]
    out = jnp.zeros((num_nodes, h.shape[1]), dtype=h.dtype).at[d].add(msg)
    return out + b


def setup_inputs(seed: int = 0) -> dict:
    key = jax.random.key(seed)
    ks = jax.random.split(key, 8)
    x = jax.random.normal(ks[0], (N, IN_CH), dtype=jnp.float32)
    edge_index = jax.random.randint(ks[1], (2, E), 0, N, dtype=jnp.int32)
    # Glorot-ish init for learned params
    W1 = jax.random.normal(ks[2], (HIDDEN, IN_CH), dtype=jnp.float32) * (1.0 / np.sqrt(IN_CH))
    b1 = jnp.zeros((HIDDEN,), dtype=jnp.float32)
    W2 = jax.random.normal(ks[3], (HID2, HIDDEN), dtype=jnp.float32) * (1.0 / np.sqrt(HIDDEN))
    b2 = jnp.zeros((HID2,), dtype=jnp.float32)
    Wh = jax.random.normal(ks[4], (1, HID2), dtype=jnp.float32) * (1.0 / np.sqrt(HID2))
    bh = jnp.zeros((1,), dtype=jnp.float32)
    return {"x": x, "edge_index": edge_index, "W1": W1, "b1": b1, "W2": W2, "b2": b2, "Wh": Wh, "bh": bh}


def reference(x, edge_index, W1, b1, W2, b2, Wh, bh):
    src = edge_index[0]
    dst = edge_index[1]
    h = gcn_conv(x, src, dst, W1, b1, N)
    h = jax.nn.relu(h)
    # dropout p=0.0 / eval mode -> identity
    h = gcn_conv(h, src, dst, W2, b2, N)
    h = jax.nn.relu(h)
    logits = (h @ Wh.T + bh).squeeze(-1)
    return logits

if __name__ == "__main__":
    import jax
    _d = setup_inputs()
    print(jax.jit(kernel)(*tuple(_d.values())))

</pallas_src>

<mosaic_0001>
#map = affine_map<(d0, d1) -> (0, 0)>
module attributes {stable_mosaic.version = 14 : i64} {
  func.func @_deg_kernel(%arg0: i32, %arg1: i32, %arg2: memref<2560x128xi32, #tpu.memory_space<hbm>>, %arg3: memref<32x10240xf32, #tpu.memory_space<hbm>>, %arg4: memref<80x128xi32, #tpu.memory_space<vmem>>, %arg5: memref<10240xf32, #tpu.memory_space<vmem>>) attributes {dimension_semantics = [#tpu.dimension_semantics<core_parallel>, #tpu.dimension_semantics<subcore_parallel>], iteration_bounds = array<i64: 2, 16>, scalar_prefetch = 0 : i64, scratch_operands = 2 : i64, tpu.core_type = #tpu.core_type<sc_vector_subcore>, window_params = [{transform_indices = #map}, {transform_indices = #map}]} {
    %mul3A = arith.constant 2 : i32
    %mul3A_0 = arith.muli %arg1, %mul3A : i32
    %add3A = arith.addi %mul3A_0, %arg0 : i32
    %broadcast_in_dim3A = arith.constant 0.000000e+00 : f32
    %broadcast_in_dim3A_1 = vector.broadcast %broadcast_in_dim3A : f32 to vector<16xf32>
    %broadcast_in_dim3A_2 = arith.constant 1.000000e+00 : f32
    %broadcast_in_dim3A_3 = vector.broadcast %broadcast_in_dim3A_2 : f32 to vector<16xf32>
    %scan3A = arith.constant 0 : i32
    %scan3A_4 = arith.constant 0 : i32
    %scan3A_5 = arith.constant 640 : i32
    %scan3A_6 = arith.addi %scan3A_4, %scan3A_5 : i32
    %scan3A_7 = arith.constant 1 : i32
    scf.for %scan3A_17 = %scan3A_4 to %scan3A_6 step %scan3A_7  : i32 {
      %mul3A_18 = arith.constant 16 : i32
      %mul3A_19 = arith.muli %scan3A_17, %mul3A_18 : i32
      %swap3A = arith.index_cast %mul3A_19 : i32 to index
      %swap3A_20 = tpu.vector_load %arg5[%swap3A] {strides = array<i32>} : memref<10240xf32, #tpu.memory_space<vmem>>, vector<16xf32>,
      tpu.vector_store %arg5[%swap3A], %broadcast_in_dim3A_1 {strides = array<i32>} : memref<10240xf32, #tpu.memory_space<vmem>>, vector<16xf32>,
    }
    %scan3A_8 = arith.constant 640 : i32
    %mul3A_9 = arith.constant 80 : i32
    %mul3A_10 = arith.muli %add3A, %mul3A_9 : i32
    "tpu.region"() ({
      %run_scoped3A = tpu.sem_alloc : memref<!tpu.dma_semaphore, #tpu.memory_space<semaphore_mem>>
      %dma_start3A = arith.constant 0 : i32
      %dma_start3A_17 = tpu.memref_slice %arg2[%mul3A_10, %dma_start3A] : memref<2560x128xi32, #tpu.memory_space<hbm>> -> memref<80x128xi32, #tpu.memory_space<hbm>>
      %dma_start3A_18 = arith.constant 0 : i32
      %dma_start3A_19 = tpu.memref_slice %arg2[%mul3A_10, %dma_start3A_18] : memref<2560x128xi32, #tpu.memory_space<hbm>> -> memref<80x128xi32, #tpu.memory_space<hbm>>
      tpu.enqueue_dma source(%dma_start3A_19 : memref<80x128xi32, #tpu.memory_space<hbm>>) target(%arg4 : memref<80x128xi32, #tpu.memory_space<vmem>>) target_semaphore(%run_scoped3A : memref<!tpu.dma_semaphore, #tpu.memory_space<semaphore_mem>>)
      %dma_wait3A = arith.constant 0 : i32
      %dma_wait3A_20 = tpu.memref_slice %arg2[%mul3A_10, %dma_wait3A] : memref<2560x128xi32, #tpu.memory_space<hbm>> -> memref<80x128xi32, #tpu.memory_space<hbm>>
      %dma_wait3A_21 = arith.constant 0 : i32
      %dma_wait3A_22 = tpu.memref_slice %arg2[%mul3A_10, %dma_wait3A_21] : memref<2560x128xi32, #tpu.memory_space<hbm>> -> memref<80x128xi32, #tpu.memory_space<hbm>>
      tpu.wait_dma2 semaphore(%run_scoped3A : memref<!tpu.dma_semaphore, #tpu.memory_space<semaphore_mem>>) src(%dma_wait3A_22 : memref<80x128xi32, #tpu.memory_space<hbm>>) dst(%arg4 : memref<80x128xi32, #tpu.memory_space<vmem>>)
      tpu.yield
    }) : () -> ()
    %scan3A_11 = arith.constant 0 : i32
    %scan3A_12 = arith.constant 0 : i32
    %scan3A_13 = arith.constant 640 : i32
    %scan3A_14 = arith.addi %scan3A_12, %scan3A_13 : i32
    %scan3A_15 = arith.constant 1 : i32
    scf.for %scan3A_17 = %scan3A_12 to %scan3A_14 step %scan3A_15  : i32 {
      %jit3A = arith.constant 8 : i32
      %div3A = arith.divsi %scan3A_17, %jit3A : i32
      %sign3A = arith.constant 0 : i32
      %sign3A_18 = arith.cmpi sgt, %scan3A_17, %sign3A : i32
      %sign3A_19 = arith.extui %sign3A_18 : i1 to i32
      %sign3A_20 = arith.constant 0 : i32
      %sign3A_21 = arith.cmpi slt, %scan3A_17, %sign3A_20 : i32
      %sign3A_22 = arith.extui %sign3A_21 : i1 to i32
      %sign3A_23 = arith.subi %sign3A_19, %sign3A_22 : i32
      %sign3A_24 = arith.constant 0 : i32
      %sign3A_25 = arith.cmpi sgt, %jit3A, %sign3A_24 : i32
      %sign3A_26 = arith.extui %sign3A_25 : i1 to i32
      %sign3A_27 = arith.constant 0 : i32
      %sign3A_28 = arith.cmpi slt, %jit3A, %sign3A_27 : i32
      %sign3A_29 = arith.extui %sign3A_28 : i1 to i32
      %sign3A_30 = arith.subi %sign3A_26, %sign3A_29 : i32
      %ne3A = arith.cmpi ne, %sign3A_23, %sign3A_30 : i32
      %rem3A = arith.remsi %scan3A_17, %jit3A : i32
      %ne3A_31 = arith.constant 0 : i32
      %ne3A_32 = arith.cmpi ne, %rem3A, %ne3A_31 : i32
      %and3A = arith.andi %ne3A, %ne3A_32 : i1
      %sub3A = arith.constant 1 : i32
      %sub3A_33 = arith.subi %div3A, %sub3A : i32
      %select_n3A = arith.select %and3A, %sub3A_33, %div3A : i32
      %jit3A_34 = arith.constant 8 : i32
      %eq3A = arith.constant 0 : i32
      %eq3A_35 = arith.cmpi eq, %jit3A_34, %eq3A : i32
      %jit3A_36 = arith.constant 1 : i32
      %select_n3A_37 = arith.select %eq3A_35, %jit3A_36, %jit3A_34 : i32
      %rem3A_38 = arith.remsi %scan3A_17, %select_n3A_37 : i32
      %ne3A_39 = arith.constant 0 : i32
      %ne3A_40 = arith.cmpi ne, %rem3A_38, %ne3A_39 : i32
      %lt3A = arith.constant 0 : i32
      %lt3A_41 = arith.cmpi slt, %rem3A_38, %lt3A : i32
      %lt3A_42 = arith.constant 0 : i32
      %lt3A_43 = arith.cmpi slt, %select_n3A_37, %lt3A_42 : i32
      %ne3A_44 = arith.xori %lt3A_41, %lt3A_43 : i1
      %and3A_45 = arith.andi %ne3A_44, %ne3A_40 : i1
      %add3A_46 = arith.addi %rem3A_38, %select_n3A_37 : i32
      %select_n3A_47 = arith.select %and3A_45, %add3A_46, %rem3A_38 : i32
      %mul3A_48 = arith.constant 16 : i32
      %mul3A_49 = arith.muli %select_n3A_47, %mul3A_48 : i32
      %get3A = arith.index_cast %select_n3A : i32 to index
      %get3A_50 = arith.index_cast %mul3A_49 : i32 to index
      %get3A_51 = tpu.vector_load %arg4[%get3A, %get3A_50] {strides = array<i32>} : memref<80x128xi32, #tpu.memory_space<vmem>>, vector<16xi32>,
      tpu.vector_store_idx %arg5[%get3A_51], %broadcast_in_dim3A_3 {add = true} : memref<10240xf32, #tpu.memory_space<vmem>>[vector<16xi32>], vector<16xf32>,
    }
    %scan3A_16 = arith.constant 640 : i32
    "tpu.region"() ({
      %run_scoped3A = tpu.sem_alloc : memref<!tpu.dma_semaphore, #tpu.memory_space<semaphore_mem>>
      %dma_start3A = arith.constant 0 : i32
      %dma_start3A_17 = tpu.memref_slice %arg3[%add3A, %dma_start3A] : memref<32x10240xf32, #tpu.memory_space<hbm>> -> memref<1x10240xf32, #tpu.memory_space<hbm>>
      %dma_start3A_18 = tpu.memref_squeeze %dma_start3A_17 : memref<1x10240xf32, #tpu.memory_space<hbm>> -> memref<10240xf32, #tpu.memory_space<hbm>>
      %dma_start3A_19 = arith.constant 0 : i32
      %dma_start3A_20 = tpu.memref_slice %arg3[%add3A, %dma_start3A_19] : memref<32x10240xf32, #tpu.memory_space<hbm>> -> memref<1x10240xf32, #tpu.memory_space<hbm>>
      %dma_start3A_21 = tpu.memref_squeeze %dma_start3A_20 : memref<1x10240xf32, #tpu.memory_space<hbm>> -> memref<10240xf32, #tpu.memory_space<hbm>>
      tpu.enqueue_dma source(%arg5 : memref<10240xf32, #tpu.memory_space<vmem>>) target(%dma_start3A_21 : memref<10240xf32, #tpu.memory_space<hbm>>) target_semaphore(%run_scoped3A : memref<!tpu.dma_semaphore, #tpu.memory_space<semaphore_mem>>)
      %dma_wait3A = arith.constant 0 : i32
      %dma_wait3A_22 = tpu.memref_slice %arg3[%add3A, %dma_wait3A] : memref<32x10240xf32, #tpu.memory_space<hbm>> -> memref<1x10240xf32, #tpu.memory_space<hbm>>
      %dma_wait3A_23 = tpu.memref_squeeze %dma_wait3A_22 : memref<1x10240xf32, #tpu.memory_space<hbm>> -> memref<10240xf32, #tpu.memory_space<hbm>>
      %dma_wait3A_24 = arith.constant 0 : i32
      %dma_wait3A_25 = tpu.memref_slice %arg3[%add3A, %dma_wait3A_24] : memref<32x10240xf32, #tpu.memory_space<hbm>> -> memref<1x10240xf32, #tpu.memory_space<hbm>>
      %dma_wait3A_26 = tpu.memref_squeeze %dma_wait3A_25 : memref<1x10240xf32, #tpu.memory_space<hbm>> -> memref<10240xf32, #tpu.memory_space<hbm>>
      tpu.wait_dma2 semaphore(%run_scoped3A : memref<!tpu.dma_semaphore, #tpu.memory_space<semaphore_mem>>) src(%arg5 : memref<10240xf32, #tpu.memory_space<vmem>>) dst(%dma_wait3A_26 : memref<10240xf32, #tpu.memory_space<hbm>>)
      tpu.yield
    }) : () -> ()
    return
  }
}

#map = affine_map<(d0, d1) -> (0, 0)>
#map1 = affine_map<(d0, d1) -> (0, 0, 0)>
module attributes {stable_mosaic.version = 14 : i64} {
  func.func @agg(%arg0: i32, %arg1: i32, %arg2: memref<2560x128xi32, #tpu.memory_space<hbm>>, %arg3: memref<2560x128xi32, #tpu.memory_space<hbm>>, %arg4: memref<10240x64xf32, #tpu.memory_space<hbm>>, %arg5: memref<128x64xf32, #tpu.memory_space<hbm>>, %arg6: memref<2x10240x64xf32, #tpu.memory_space<hbm>>, %arg7: memref<80x128xi32, #tpu.memory_space<vmem>>, %arg8: memref<80x128xi32, #tpu.memory_space<vmem>>, %arg9: memref<128x64xf32, #tpu.memory_space<vmem>>, %arg10: memref<128x64xf32, #tpu.memory_space<vmem>>, %arg11: memref<10240x64xf32, #tpu.memory_space<vmem_shared>>, %arg12: memref<!tpu.dma_semaphore, #tpu.memory_space<semaphore_mem>>, %arg13: memref<!tpu.dma_semaphore, #tpu.memory_space<semaphore_mem>>) attributes {dimension_semantics = [#tpu.dimension_semantics<core_parallel>, #tpu.dimension_semantics<subcore_parallel>], iteration_bounds = array<i64: 2, 16>, scalar_prefetch = 0 : i64, scratch_operands = 7 : i64, tpu.core_type = #tpu.core_type<sc_vector_subcore>, window_params = [{transform_indices = #map}, {transform_indices = #map}, {transform_indices = #map}, {transform_indices = #map}, {transform_indices = #map1}]} {
    "tpu.region"() ({
      %run_scoped3A = tpu.sem_alloc : memref<!tpu.dma_semaphore, #tpu.memory_space<semaphore_mem>>
      tpu.enqueue_dma source(%arg5 : memref<128x64xf32, #tpu.memory_space<hbm>>) target(%arg9 : memref<128x64xf32, #tpu.memory_space<vmem>>) target_semaphore(%run_scoped3A : memref<!tpu.dma_semaphore, #tpu.memory_space<semaphore_mem>>)
      tpu.wait_dma2 semaphore(%run_scoped3A : memref<!tpu.dma_semaphore, #tpu.memory_space<semaphore_mem>>) src(%arg5 : memref<128x64xf32, #tpu.memory_space<hbm>>) dst(%arg9 : memref<128x64xf32, #tpu.memory_space<vmem>>)
      tpu.yield
    }) : () -> ()
    %mul3A = arith.constant 640 : i32
    %mul3A_0 = arith.muli %arg1, %mul3A : i32
    %add3A = arith.constant 0 : i32
    %add3A_1 = arith.addi %mul3A_0, %add3A : i32
    "tpu.region"() ({
      %run_scoped3A = tpu.sem_alloc : memref<!tpu.dma_semaphore, #tpu.memory_space<semaphore_mem>>
      %dma_start3A_41 = arith.constant 0 : i32
      %dma_start3A_42 = tpu.memref_slice %arg11[%add3A_1, %dma_start3A_41] : memref<10240x64xf32, #tpu.memory_space<vmem_shared>> -> memref<128x64xf32, #tpu.memory_space<vmem_shared>>
      %dma_start3A_43 = arith.constant 0 : i32
      %dma_start3A_44 = tpu.memref_slice %arg11[%add3A_1, %dma_start3A_43] : memref<10240x64xf32, #tpu.memory_space<vmem_shared>> -> memref<128x64xf32, #tpu.memory_space<vmem_shared>>
      tpu.enqueue_dma source(%arg9 : memref<128x64xf32, #tpu.memory_space<vmem>>) target(%dma_start3A_44 : memref<128x64xf32, #tpu.memory_space<vmem_shared>>) target_semaphore(%run_scoped3A : memref<!tpu.dma_semaphore, #tpu.memory_space<semaphore_mem>>)
      %dma_wait3A = arith.constant 0 : i32
      %dma_wait3A_45 = tpu.memref_slice %arg11[%add3A_1, %dma_wait3A] : memref<10240x64xf32, #tpu.memory_space<vmem_shared>> -> memref<128x64xf32, #tpu.memory_space<vmem_shared>>
      %dma_wait3A_46 = arith.constant 0 : i32
      %dma_wait3A_47 = tpu.memref_slice %arg11[%add3A_1, %dma_wait3A_46] : memref<10240x64xf32, #tpu.memory_space<vmem_shared>> -> memref<128x64xf32, #tpu.memory_space<vmem_shared>>
      tpu.wait_dma2 semaphore(%run_scoped3A : memref<!tpu.dma_semaphore, #tpu.memory_space<semaphore_mem>>) src(%arg9 : memref<128x64xf32, #tpu.memory_space<vmem>>) dst(%dma_wait3A_47 : memref<128x64xf32, #tpu.memory_space<vmem_shared>>)
      tpu.yield
    }) : () -> ()
    %add3A_2 = arith.constant 128 : i32
    %add3A_3 = arith.addi %mul3A_0, %add3A_2 : i32
    "tpu.region"() ({
      %run_scoped3A = tpu.sem_alloc : memref<!tpu.dma_semaphore, #tpu.memory_space<semaphore_mem>>
      %dma_start3A_41 = arith.constant 0 : i32
      %dma_start3A_42 = tpu.memref_slice %arg11[%add3A_3, %dma_start3A_41] : memref<10240x64xf32, #tpu.memory_space<vmem_shared>> -> memref<128x64xf32, #tpu.memory_space<vmem_shared>>
      %dma_start3A_43 = arith.constant 0 : i32
      %dma_start3A_44 = tpu.memref_slice %arg11[%add3A_3, %dma_start3A_43] : memref<10240x64xf32, #tpu.memory_space<vmem_shared>> -> memref<128x64xf32, #tpu.memory_space<vmem_shared>>
      tpu.enqueue_dma source(%arg9 : memref<128x64xf32, #tpu.memory_space<vmem>>) target(%dma_start3A_44 : memref<128x64xf32, #tpu.memory_space<vmem_shared>>) target_semaphore(%run_scoped3A : memref<!tpu.dma_semaphore, #tpu.memory_space<semaphore_mem>>)
      %dma_wait3A = arith.constant 0 : i32
      %dma_wait3A_45 = tpu.memref_slice %arg11[%add3A_3, %dma_wait3A] : memref<10240x64xf32, #tpu.memory_space<vmem_shared>> -> memref<128x64xf32, #tpu.memory_space<vmem_shared>>
      %dma_wait3A_46 = arith.constant 0 : i32
      %dma_wait3A_47 = tpu.memref_slice %arg11[%add3A_3, %dma_wait3A_46] : memref<10240x64xf32, #tpu.memory_space<vmem_shared>> -> memref<128x64xf32, #tpu.memory_space<vmem_shared>>
      tpu.wait_dma2 semaphore(%run_scoped3A : memref<!tpu.dma_semaphore, #tpu.memory_space<semaphore_mem>>) src(%arg9 : memref<128x64xf32, #tpu.memory_space<vmem>>) dst(%dma_wait3A_47 : memref<128x64xf32, #tpu.memory_space<vmem_shared>>)
      tpu.yield
    }) : () -> ()
    %add3A_4 = arith.constant 256 : i32
    %add3A_5 = arith.addi %mul3A_0, %add3A_4 : i32
    "tpu.region"() ({
      %run_scoped3A = tpu.sem_alloc : memref<!tpu.dma_semaphore, #tpu.memory_space<semaphore_mem>>
      %dma_start3A_41 = arith.constant 0 : i32
      %dma_start3A_42 = tpu.memref_slice %arg11[%add3A_5, %dma_start3A_41] : memref<10240x64xf32, #tpu.memory_space<vmem_shared>> -> memref<128x64xf32, #tpu.memory_space<vmem_shared>>
      %dma_start3A_43 = arith.constant 0 : i32
      %dma_start3A_44 = tpu.memref_slice %arg11[%add3A_5, %dma_start3A_43] : memref<10240x64xf32, #tpu.memory_space<vmem_shared>> -> memref<128x64xf32, #tpu.memory_space<vmem_shared>>
      tpu.enqueue_dma source(%arg9 : memref<128x64xf32, #tpu.memory_space<vmem>>) target(%dma_start3A_44 : memref<128x64xf32, #tpu.memory_space<vmem_shared>>) target_semaphore(%run_scoped3A : memref<!tpu.dma_semaphore, #tpu.memory_space<semaphore_mem>>)
      %dma_wait3A = arith.constant 0 : i32
      %dma_wait3A_45 = tpu.memref_slice %arg11[%add3A_5, %dma_wait3A] : memref<10240x64xf32, #tpu.memory_space<vmem_shared>> -> memref<128x64xf32, #tpu.memory_space<vmem_shared>>
      %dma_wait3A_46 = arith.constant 0 : i32
      %dma_wait3A_47 = tpu.memref_slice %arg11[%add3A_5, %dma_wait3A_46] : memref<10240x64xf32, #tpu.memory_space<vmem_shared>> -> memref<128x64xf32, #tpu.memory_space<vmem_shared>>
      tpu.wait_dma2 semaphore(%run_scoped3A : memref<!tpu.dma_semaphore, #tpu.memory_space<semaphore_mem>>) src(%arg9 : memref<128x64xf32, #tpu.memory_space<vmem>>) dst(%dma_wait3A_47 : memref<128x64xf32, #tpu.memory_space<vmem_shared>>)
      tpu.yield
    }) : () -> ()
    %add3A_6 = arith.constant 384 : i32
    %add3A_7 = arith.addi %mul3A_0, %add3A_6 : i32
    "tpu.region"() ({
      %run_scoped3A = tpu.sem_alloc : memref<!tpu.dma_semaphore, #tpu.memory_space<semaphore_mem>>
      %dma_start3A_41 = arith.constant 0 : i32
      %dma_start3A_42 = tpu.memref_slice %arg11[%add3A_7, %dma_start3A_41] : memref<10240x64xf32, #tpu.memory_space<vmem_shared>> -> memref<128x64xf32, #tpu.memory_space<vmem_shared>>
      %dma_start3A_43 = arith.constant 0 : i32
      %dma_start3A_44 = tpu.memref_slice %arg11[%add3A_7, %dma_start3A_43] : memref<10240x64xf32, #tpu.memory_space<vmem_shared>> -> memref<128x64xf32, #tpu.memory_space<vmem_shared>>
      tpu.enqueue_dma source(%arg9 : memref<128x64xf32, #tpu.memory_space<vmem>>) target(%dma_start3A_44 : memref<128x64xf32, #tpu.memory_space<vmem_shared>>) target_semaphore(%run_scoped3A : memref<!tpu.dma_semaphore, #tpu.memory_space<semaphore_mem>>)
      %dma_wait3A = arith.constant 0 : i32
      %dma_wait3A_45 = tpu.memref_slice %arg11[%add3A_7, %dma_wait3A] : memref<10240x64xf32, #tpu.memory_space<vmem_shared>> -> memref<128x64xf32, #tpu.memory_space<vmem_shared>>
      %dma_wait3A_46 = arith.constant 0 : i32
      %dma_wait3A_47 = tpu.memref_slice %arg11[%add3A_7, %dma_wait3A_46] : memref<10240x64xf32, #tpu.memory_space<vmem_shared>> -> memref<128x64xf32, #tpu.memory_space<vmem_shared>>
      tpu.wait_dma2 semaphore(%run_scoped3A : memref<!tpu.dma_semaphore, #tpu.memory_space<semaphore_mem>>) src(%arg9 : memref<128x64xf32, #tpu.memory_space<vmem>>) dst(%dma_wait3A_47 : memref<128x64xf32, #tpu.memory_space<vmem_shared>>)
      tpu.yield
    }) : () -> ()
    %add3A_8 = arith.constant 512 : i32
    %add3A_9 = arith.addi %mul3A_0, %add3A_8 : i32
    "tpu.region"() ({
      %run_scoped3A = tpu.sem_alloc : memref<!tpu.dma_semaphore, #tpu.memory_space<semaphore_mem>>
      %dma_start3A_41 = arith.constant 0 : i32
      %dma_start3A_42 = tpu.memref_slice %arg11[%add3A_9, %dma_start3A_41] : memref<10240x64xf32, #tpu.memory_space<vmem_shared>> -> memref<128x64xf32, #tpu.memory_space<vmem_shared>>
      %dma_start3A_43 = arith.constant 0 : i32
      %dma_start3A_44 = tpu.memref_slice %arg11[%add3A_9, %dma_start3A_43] : memref<10240x64xf32, #tpu.memory_space<vmem_shared>> -> memref<128x64xf32, #tpu.memory_space<vmem_shared>>
      tpu.enqueue_dma source(%arg9 : memref<128x64xf32, #tpu.memory_space<vmem>>) target(%dma_start3A_44 : memref<128x64xf32, #tpu.memory_space<vmem_shared>>) target_semaphore(%run_scoped3A : memref<!tpu.dma_semaphore, #tpu.memory_space<semaphore_mem>>)
      %dma_wait3A = arith.constant 0 : i32
      %dma_wait3A_45 = tpu.memref_slice %arg11[%add3A_9, %dma_wait3A] : memref<10240x64xf32, #tpu.memory_space<vmem_shared>> -> memref<128x64xf32, #tpu.memory_space<vmem_shared>>
      %dma_wait3A_46 = arith.constant 0 : i32
      %dma_wait3A_47 = tpu.memref_slice %arg11[%add3A_9, %dma_wait3A_46] : memref<10240x64xf32, #tpu.memory_space<vmem_shared>> -> memref<128x64xf32, #tpu.memory_space<vmem_shared>>
      tpu.wait_dma2 semaphore(%run_scoped3A : memref<!tpu.dma_semaphore, #tpu.memory_space<semaphore_mem>>) src(%arg9 : memref<128x64xf32, #tpu.memory_space<vmem>>) dst(%dma_wait3A_47 : memref<128x64xf32, #tpu.memory_space<vmem_shared>>)
      tpu.yield
    }) : () -> ()
    %mul3A_10 = arith.constant 16 : i32
    %mul3A_11 = arith.muli %arg0, %mul3A_10 : i32
    %add3A_12 = arith.addi %mul3A_11, %arg1 : i32
    %mul3A_13 = arith.constant 80 : i32
    %mul3A_14 = arith.muli %add3A_12, %mul3A_13 : i32
    "tpu.region"() ({
      %run_scoped3A = tpu.sem_alloc : memref<!tpu.dma_semaphore, #tpu.memory_space<semaphore_mem>>
      %dma_start3A_41 = arith.constant 0 : i32
      %dma_start3A_42 = tpu.memref_slice %arg3[%mul3A_14, %dma_start3A_41] : memref<2560x128xi32, #tpu.memory_space<hbm>> -> memref<80x128xi32, #tpu.memory_space<hbm>>
      %dma_start3A_43 = arith.constant 0 : i32
      %dma_start3A_44 = tpu.memref_slice %arg3[%mul3A_14, %dma_start3A_43] : memref<2560x128xi32, #tpu.memory_space<hbm>> -> memref<80x128xi32, #tpu.memory_space<hbm>>
      tpu.enqueue_dma source(%dma_start3A_44 : memref<80x128xi32, #tpu.memory_space<hbm>>) target(%arg8 : memref<80x128xi32, #tpu.memory_space<vmem>>) target_semaphore(%run_scoped3A : memref<!tpu.dma_semaphore, #tpu.memory_space<semaphore_mem>>)
      %dma_wait3A = arith.constant 0 : i32
      %dma_wait3A_45 = tpu.memref_slice %arg3[%mul3A_14, %dma_wait3A] : memref<2560x128xi32, #tpu.memory_space<hbm>> -> memref<80x128xi32, #tpu.memory_space<hbm>>
      %dma_wait3A_46 = arith.constant 0 : i32
      %dma_wait3A_47 = tpu.memref_slice %arg3[%mul3A_14, %dma_wait3A_46] : memref<2560x128xi32, #tpu.memory_space<hbm>> -> memref<80x128xi32, #tpu.memory_space<hbm>>
      tpu.wait_dma2 semaphore(%run_scoped3A : memref<!tpu.dma_semaphore, #tpu.memory_space<semaphore_mem>>) src(%dma_wait3A_47 : memref<80x128xi32, #tpu.memory_space<hbm>>) dst(%arg8 : memref<80x128xi32, #tpu.memory_space<vmem>>)
      tpu.yield
    }) : () -> ()
    %barrier3A = arith.constant 0 : index
    tpu.barrier barrier_id(%barrier3A)
    %mul3A_15 = arith.constant 80 : i32
    %mul3A_16 = arith.muli %add3A_12, %mul3A_15 : i32
    %add3A_17 = arith.constant 0 : i32
    %add3A_18 = arith.addi %mul3A_16, %add3A_17 : i32
    "tpu.region"() ({
      %run_scoped3A = tpu.sem_alloc : memref<!tpu.dma_semaphore, #tpu.memory_space<semaphore_mem>>
      %dma_start3A_41 = arith.constant 0 : i32
      %dma_start3A_42 = tpu.memref_slice %arg2[%add3A_18, %dma_start3A_41] : memref<2560x128xi32, #tpu.memory_space<hbm>> -> memref<80x128xi32, #tpu.memory_space<hbm>>
      %dma_start3A_43 = arith.constant 0 : i32
      %dma_start3A_44 = tpu.memref_slice %arg2[%add3A_18, %dma_start3A_43] : memref<2560x128xi32, #tpu.memory_space<hbm>> -> memref<80x128xi32, #tpu.memory_space<hbm>>
      tpu.enqueue_dma source(%dma_start3A_44 : memref<80x128xi32, #tpu.memory_space<hbm>>) target(%arg7 : memref<80x128xi32, #tpu.memory_space<vmem>>) target_semaphore(%run_scoped3A : memref<!tpu.dma_semaphore, #tpu.memory_space<semaphore_mem>>)
      %dma_wait3A = arith.constant 0 : i32
      %dma_wait3A_45 = tpu.memref_slice %arg2[%add3A_18, %dma_wait3A] : memref<2560x128xi32, #tpu.memory_space<hbm>> -> memref<80x128xi32, #tpu.memory_space<hbm>>
      %dma_wait3A_46 = arith.constant 0 : i32
      %dma_wait3A_47 = tpu.memref_slice %arg2[%add3A_18, %dma_wait3A_46] : memref<2560x128xi32, #tpu.memory_space<hbm>> -> memref<80x128xi32, #tpu.memory_space<hbm>>
      tpu.wait_dma2 semaphore(%run_scoped3A : memref<!tpu.dma_semaphore, #tpu.memory_space<semaphore_mem>>) src(%dma_wait3A_47 : memref<80x128xi32, #tpu.memory_space<hbm>>) dst(%arg7 : memref<80x128xi32, #tpu.memory_space<vmem>>)
      tpu.yield
    }) : () -> ()
    %dma_start3A = arith.constant 0 : i32
    %dma_start3A_19 = arith.constant 0 : i32
    %dma_start3A_20 = tpu.memref_slice %arg7[%dma_start3A, %dma_start3A_19] : memref<80x128xi32, #tpu.memory_space<vmem>> -> memref<1x128xi32, #tpu.memory_space<vmem>>
    %dma_start3A_21 = tpu.memref_squeeze %dma_start3A_20 : memref<1x128xi32, #tpu.memory_space<vmem>> -> memref<128xi32, #tpu.memory_space<vmem>>
    %dma_start3A_22 = arith.constant 0 : i32
    %dma_start3A_23 = arith.constant 0 : i32
    %dma_start3A_24 = tpu.memref_slice %arg4[%dma_start3A_22, %dma_start3A_23] : memref<10240x64xf32, #tpu.memory_space<hbm>> -> memref<10240x64xf32, #tpu.memory_space<hbm>>
    tpu.enqueue_indirect_dma source(%dma_start3A_24 : memref<10240x64xf32, #tpu.memory_space<hbm>>) target(%arg9 : memref<128x64xf32, #tpu.memory_space<vmem>>) offsets(%dma_start3A_21 : memref<128xi32, #tpu.memory_space<vmem>>) semaphore(%arg12 : memref<!tpu.dma_semaphore, #tpu.memory_space<semaphore_mem>>)
    %scan3A = arith.constant 0 : i32
    %scan3A_25 = arith.constant 0 : i32
    %scan3A_26 = arith.constant 40 : i32
    %scan3A_27 = arith.addi %scan3A_25, %scan3A_26 : i32
    %scan3A_28 = arith.constant 1 : i32
    scf.for %scan3A_41 = %scan3A_25 to %scan3A_27 step %scan3A_28  : i32 {
      %mul3A_42 = arith.constant 2 : i32
      %mul3A_43 = arith.muli %mul3A_42, %scan3A_41 : i32
      %add3A_44 = arith.constant 1 : i32
      %add3A_45 = arith.addi %mul3A_43, %add3A_44 : i32
      %dma_start3A_46 = arith.constant 0 : i32
      %dma_start3A_47 = tpu.memref_slice %arg7[%add3A_45, %dma_start3A_46] : memref<80x128xi32, #tpu.memory_space<vmem>> -> memref<1x128xi32, #tpu.memory_space<vmem>>
      %dma_start3A_48 = tpu.memref_squeeze %dma_start3A_47 : memref<1x128xi32, #tpu.memory_space<vmem>> -> memref<128xi32, #tpu.memory_space<vmem>>
      %dma_start3A_49 = arith.constant 0 : i32
      %dma_start3A_50 = arith.constant 0 : i32
      %dma_start3A_51 = tpu.memref_slice %arg4[%dma_start3A_49, %dma_start3A_50] : memref<10240x64xf32, #tpu.memory_space<hbm>> -> memref<10240x64xf32, #tpu.memory_space<hbm>>
      tpu.enqueue_indirect_dma source(%dma_start3A_51 : memref<10240x64xf32, #tpu.memory_space<hbm>>) target(%arg10 : memref<128x64xf32, #tpu.memory_space<vmem>>) offsets(%dma_start3A_48 : memref<128xi32, #tpu.memory_space<vmem>>) semaphore(%arg13 : memref<!tpu.dma_semaphore, #tpu.memory_space<semaphore_mem>>)
      %dma_wait3A = arith.constant 0 : i32
      %dma_wait3A_52 = tpu.memref_slice %arg7[%mul3A_43, %dma_wait3A] : memref<80x128xi32, #tpu.memory_space<vmem>> -> memref<1x128xi32, #tpu.memory_space<vmem>>
      %dma_wait3A_53 = tpu.memref_squeeze %dma_wait3A_52 : memref<1x128xi32, #tpu.memory_space<vmem>> -> memref<128xi32, #tpu.memory_space<vmem>>
      %dma_wait3A_54 = arith.constant 0 : i32
      %dma_wait3A_55 = arith.constant 0 : i32
      %dma_wait3A_56 = tpu.memref_slice %arg4[%dma_wait3A_54, %dma_wait3A_55] : memref<10240x64xf32, #tpu.memory_space<hbm>> -> memref<10240x64xf32, #tpu.memory_space<hbm>>
      tpu.wait_indirect_dma semaphore(%arg12 : memref<!tpu.dma_semaphore, #tpu.memory_space<semaphore_mem>>) src(%dma_wait3A_56 : memref<10240x64xf32, #tpu.memory_space<hbm>>) dst(%arg9 : memref<128x64xf32, #tpu.memory_space<vmem>>)
      %add3A_57 = arith.constant 0 : i32
      %add3A_58 = arith.addi %add3A_57, %mul3A_43 : i32
      "tpu.region"() ({
        %run_scoped3A = tpu.sem_alloc : memref<!tpu.dma_semaphore, #tpu.memory_space<semaphore_mem>>
        %dma_start3A_73 = arith.constant 0 : i32
        %dma_start3A_74 = tpu.memref_slice %arg8[%add3A_58, %dma_start3A_73] : memref<80x128xi32, #tpu.memory_space<vmem>> -> memref<1x128xi32, #tpu.memory_space<vmem>>
        %dma_start3A_75 = tpu.memref_squeeze %dma_start3A_74 : memref<1x128xi32, #tpu.memory_space<vmem>> -> memref<128xi32, #tpu.memory_space<vmem>>
        %dma_start3A_76 = arith.constant 0 : i32
        %dma_start3A_77 = arith.constant 0 : i32
        %dma_start3A_78 = tpu.memref_slice %arg11[%dma_start3A_76, %dma_start3A_77] : memref<10240x64xf32, #tpu.memory_space<vmem_shared>> -> memref<10240x64xf32, #tpu.memory_space<vmem_shared>>
        tpu.enqueue_indirect_dma source(%arg9 : memref<128x64xf32, #tpu.memory_space<vmem>>) target(%dma_start3A_78 : memref<10240x64xf32, #tpu.memory_space<vmem_shared>>) offsets(%dma_start3A_75 : memref<128xi32, #tpu.memory_space<vmem>>) semaphore(%run_scoped3A : memref<!tpu.dma_semaphore, #tpu.memory_space<semaphore_mem>>) {add = true}
        %dma_wait3A_79 = arith.constant 0 : i32
        %dma_wait3A_80 = tpu.memref_slice %arg8[%add3A_58, %dma_wait3A_79] : memref<80x128xi32, #tpu.memory_space<vmem>> -> memref<1x128xi32, #tpu.memory_space<vmem>>
        %dma_wait3A_81 = tpu.memref_squeeze %dma_wait3A_80 : memref<1x128xi32, #tpu.memory_space<vmem>> -> memref<128xi32, #tpu.memory_space<vmem>>
        %dma_wait3A_82 = arith.constant 0 : i32
        %dma_wait3A_83 = arith.constant 0 : i32
        %dma_wait3A_84 = tpu.memref_slice %arg11[%dma_wait3A_82, %dma_wait3A_83] : memref<10240x64xf32, #tpu.memory_space<vmem_shared>> -> memref<10240x64xf32, #tpu.memory_space<vmem_shared>>
        tpu.wait_indirect_dma semaphore(%run_scoped3A : memref<!tpu.dma_semaphore, #tpu.memory_space<semaphore_mem>>) src(%arg9 : memref<128x64xf32, #tpu.memory_space<vmem>>) dst(%dma_wait3A_84 : memref<10240x64xf32, #tpu.memory_space<vmem_shared>>)
        tpu.yield
      }) : () -> ()
      %lt3A = arith.constant 39 : i32
      %lt3A_59 = arith.cmpi slt, %scan3A_41, %lt3A : i32
      %convert_element_type3A = arith.extui %lt3A_59 : i1 to i32
      %cond3A = arith.constant 0 : i32
      %cond3A_60 = arith.cmpi ne, %convert_element_type3A, %cond3A : i32
      scf.if %cond3A_60 {
        %add3A_73 = arith.constant 2 : i32
        %add3A_74 = arith.addi %mul3A_43, %add3A_73 : i32
        %dma_start3A_75 = arith.constant 0 : i32
        %dma_start3A_76 = tpu.memref_slice %arg7[%add3A_74, %dma_start3A_75] : memref<80x128xi32, #tpu.memory_space<vmem>> -> memref<1x128xi32, #tpu.memory_space<vmem>>
        %dma_start3A_77 = tpu.memref_squeeze %dma_start3A_76 : memref<1x128xi32, #tpu.memory_space<vmem>> -> memref<128xi32, #tpu.memory_space<vmem>>
        %dma_start3A_78 = arith.constant 0 : i32
        %dma_start3A_79 = arith.constant 0 : i32
        %dma_start3A_80 = tpu.memref_slice %arg4[%dma_start3A_78, %dma_start3A_79] : memref<10240x64xf32, #tpu.memory_space<hbm>> -> memref<10240x64xf32, #tpu.memory_space<hbm>>
        tpu.enqueue_indirect_dma source(%dma_start3A_80 : memref<10240x64xf32, #tpu.memory_space<hbm>>) target(%arg9 : memref<128x64xf32, #tpu.memory_space<vmem>>) offsets(%dma_start3A_77 : memref<128xi32, #tpu.memory_space<vmem>>) semaphore(%arg12 : memref<!tpu.dma_semaphore, #tpu.memory_space<semaphore_mem>>)
      } else {
      }
      %add3A_61 = arith.constant 1 : i32
      %add3A_62 = arith.addi %mul3A_43, %add3A_61 : i32
      %dma_wait3A_63 = arith.constant 0 : i32
      %dma_wait3A_64 = tpu.memref_slice %arg7[%add3A_62, %dma_wait3A_63] : memref<80x128xi32, #tpu.memory_space<vmem>> -> memref<1x128xi32, #tpu.memory_space<vmem>>
      %dma_wait3A_65 = tpu.memref_squeeze %dma_wait3A_64 : memref<1x128xi32, #tpu.memory_space<vmem>> -> memref<128xi32, #tpu.memory_space<vmem>>
      %dma_wait3A_66 = arith.constant 0 : i32
      %dma_wait3A_67 = arith.constant 0 : i32
      %dma_wait3A_68 = tpu.memref_slice %arg4[%dma_wait3A_66, %dma_wait3A_67] : memref<10240x64xf32, #tpu.memory_space<hbm>> -> memref<10240x64xf32, #tpu.memory_space<hbm>>
      tpu.wait_indirect_dma semaphore(%arg13 : memref<!tpu.dma_semaphore, #tpu.memory_space<semaphore_mem>>) src(%dma_wait3A_68 : memref<10240x64xf32, #tpu.memory_space<hbm>>) dst(%arg10 : memref<128x64xf32, #tpu.memory_space<vmem>>)
      %add3A_69 = arith.constant 0 : i32
      %add3A_70 = arith.addi %add3A_69, %mul3A_43 : i32
      %add3A_71 = arith.constant 1 : i32
      %add3A_72 = arith.addi %add3A_70, %add3A_71 : i32
      "tpu.region"() ({
        %run_scoped3A = tpu.sem_alloc : memref<!tpu.dma_semaphore, #tpu.memory_space<semaphore_mem>>
        %dma_start3A_73 = arith.constant 0 : i32
        %dma_start3A_74 = tpu.memref_slice %arg8[%add3A_72, %dma_start3A_73] : memref<80x128xi32, #tpu.memory_space<vmem>> -> memref<1x128xi32, #tpu.memory_space<vmem>>
        %dma_start3A_75 = tpu.memref_squeeze %dma_start3A_74 : memref<1x128xi32, #tpu.memory_space<vmem>> -> memref<128xi32, #tpu.memory_space<vmem>>
        %dma_start3A_76 = arith.constant 0 : i32
        %dma_start3A_77 = arith.constant 0 : i32
        %dma_start3A_78 = tpu.memref_slice %arg11[%dma_start3A_76, %dma_start3A_77] : memref<10240x64xf32, #tpu.memory_space<vmem_shared>> -> memref<10240x64xf32, #tpu.memory_space<vmem_shared>>
        tpu.enqueue_indirect_dma source(%arg10 : memref<128x64xf32, #tpu.memory_space<vmem>>) target(%dma_start3A_78 : memref<10240x64xf32, #tpu.memory_space<vmem_shared>>) offsets(%dma_start3A_75 : memref<128xi32, #tpu.memory_space<vmem>>) semaphore(%run_scoped3A : memref<!tpu.dma_semaphore, #tpu.memory_space<semaphore_mem>>) {add = true}
        %dma_wait3A_79 = arith.constant 0 : i32
        %dma_wait3A_80 = tpu.memref_slice %arg8[%add3A_72, %dma_wait3A_79] : memref<80x128xi32, #tpu.memory_space<vmem>> -> memref<1x128xi32, #tpu.memory_space<vmem>>
        %dma_wait3A_81 = tpu.memref_squeeze %dma_wait3A_80 : memref<1x128xi32, #tpu.memory_space<vmem>> -> memref<128xi32, #tpu.memory_space<vmem>>
        %dma_wait3A_82 = arith.constant 0 : i32
        %dma_wait3A_83 = arith.constant 0 : i32
        %dma_wait3A_84 = tpu.memref_slice %arg11[%dma_wait3A_82, %dma_wait3A_83] : memref<10240x64xf32, #tpu.memory_space<vmem_shared>> -> memref<10240x64xf32, #tpu.memory_space<vmem_shared>>
        tpu.wait_indirect_dma semaphore(%run_scoped3A : memref<!tpu.dma_semaphore, #tpu.memory_space<semaphore_mem>>) src(%arg10 : memref<128x64xf32, #tpu.memory_space<vmem>>) dst(%dma_wait3A_84 : memref<10240x64xf32, #tpu.memory_space<vmem_shared>>)
        tpu.yield
      }) : () -> ()
    }
    %scan3A_29 = arith.constant 40 : i32
    %barrier3A_30 = arith.constant 0 : index
    tpu.barrier barrier_id(%barrier3A_30)
    %add3A_31 = arith.constant 0 : i32
    %add3A_32 = arith.addi %mul3A_0, %add3A_31 : i32
    "tpu.region"() ({
      %run_scoped3A = tpu.sem_alloc : memref<!tpu.dma_semaphore, #tpu.memory_space<semaphore_mem>>
      %dma_start3A_41 = arith.constant 0 : i32
      %dma_start3A_42 = tpu.memref_slice %arg11[%add3A_32, %dma_start3A_41] : memref<10240x64xf32, #tpu.memory_space<vmem_shared>> -> memref<128x64xf32, #tpu.memory_space<vmem_shared>>
      %dma_start3A_43 = arith.constant 0 : i32
      %dma_start3A_44 = tpu.memref_slice %arg11[%add3A_32, %dma_start3A_43] : memref<10240x64xf32, #tpu.memory_space<vmem_shared>> -> memref<128x64xf32, #tpu.memory_space<vmem_shared>>
      tpu.enqueue_dma source(%dma_start3A_44 : memref<128x64xf32, #tpu.memory_space<vmem_shared>>) target(%arg9 : memref<128x64xf32, #tpu.memory_space<vmem>>) target_semaphore(%run_scoped3A : memref<!tpu.dma_semaphore, #tpu.memory_space<semaphore_mem>>)
      %dma_wait3A = arith.constant 0 : i32
      %dma_wait3A_45 = tpu.memref_slice %arg11[%add3A_32, %dma_wait3A] : memref<10240x64xf32, #tpu.memory_space<vmem_shared>> -> memref<128x64xf32, #tpu.memory_space<vmem_shared>>
      %dma_wait3A_46 = arith.constant 0 : i32
      %dma_wait3A_47 = tpu.memref_slice %arg11[%add3A_32, %dma_wait3A_46] : memref<10240x64xf32, #tpu.memory_space<vmem_shared>> -> memref<128x64xf32, #tpu.memory_space<vmem_shared>>
      tpu.wait_dma2 semaphore(%run_scoped3A : memref<!tpu.dma_semaphore, #tpu.memory_space<semaphore_mem>>) src(%dma_wait3A_47 : memref<128x64xf32, #tpu.memory_space<vmem_shared>>) dst(%arg9 : memref<128x64xf32, #tpu.memory_space<vmem>>)
      tpu.yield
    }) : () -> ()
    "tpu.region"() ({
      %run_scoped3A = tpu.sem_alloc : memref<!tpu.dma_semaphore, #tpu.memory_space<semaphore_mem>>
      %dma_start3A_41 = arith.constant 0 : i32
      %dma_start3A_42 = tpu.memref_slice %arg6[%arg0, %add3A_32, %dma_start3A_41] : memref<2x10240x64xf32, #tpu.memory_space<hbm>> -> memref<1x128x64xf32, #tpu.memory_space<hbm>>
      %dma_start3A_43 = tpu.memref_squeeze %dma_start3A_42 : memref<1x128x64xf32, #tpu.memory_space<hbm>> -> memref<128x64xf32, #tpu.memory_space<hbm>>
      %dma_start3A_44 = arith.constant 0 : i32
      %dma_start3A_45 = tpu.memref_slice %arg6[%arg0, %add3A_32, %dma_start3A_44] : memref<2x10240x64xf32, #tpu.memory_space<hbm>> -> memref<1x128x64xf32, #tpu.memory_space<hbm>>
      %dma_start3A_46 = tpu.memref_squeeze %dma_start3A_45 : memref<1x128x64xf32, #tpu.memory_space<hbm>> -> memref<128x64xf32, #tpu.memory_space<hbm>>
      tpu.enqueue_dma source(%arg9 : memref<128x64xf32, #tpu.memory_space<vmem>>) target(%dma_start3A_46 : memref<128x64xf32, #tpu.memory_space<hbm>>) target_semaphore(%run_scoped3A : memref<!tpu.dma_semaphore, #tpu.memory_space<semaphore_mem>>)
      %dma_wait3A = arith.constant 0 : i32
      %dma_wait3A_47 = tpu.memref_slice %arg6[%arg0, %add3A_32, %dma_wait3A] : memref<2x10240x64xf32, #tpu.memory_space<hbm>> -> memref<1x128x64xf32, #tpu.memory_space<hbm>>
      %dma_wait3A_48 = tpu.memref_squeeze %dma_wait3A_47 : memref<1x128x64xf32, #tpu.memory_space<hbm>> -> memref<128x64xf32, #tpu.memory_space<hbm>>
      %dma_wait3A_49 = arith.constant 0 : i32
      %dma_wait3A_50 = tpu.memref_slice %arg6[%arg0, %add3A_32, %dma_wait3A_49] : memref<2x10240x64xf32, #tpu.memory_space<hbm>> -> memref<1x128x64xf32, #tpu.memory_space<hbm>>
      %dma_wait3A_51 = tpu.memref_squeeze %dma_wait3A_50 : memref<1x128x64xf32, #tpu.memory_space<hbm>> -> memref<128x64xf32, #tpu.memory_space<hbm>>
      tpu.wait_dma2 semaphore(%run_scoped3A : memref<!tpu.dma_semaphore, #tpu.memory_space<semaphore_mem>>) src(%arg9 : memref<128x64xf32, #tpu.memory_space<vmem>>) dst(%dma_wait3A_51 : memref<128x64xf32, #tpu.memory_space<hbm>>)
      tpu.yield
    }) : () -> ()
    %add3A_33 = arith.constant 128 : i32
    %add3A_34 = arith.addi %mul3A_0, %add3A_33 : i32
    "tpu.region"() ({
      %run_scoped3A = tpu.sem_alloc : memref<!tpu.dma_semaphore, #tpu.memory_space<semaphore_mem>>
      %dma_start3A_41 = arith.constant 0 : i32
      %dma_start3A_42 = tpu.memref_slice %arg11[%add3A_34, %dma_start3A_41] : memref<10240x64xf32, #tpu.memory_space<vmem_shared>> -> memref<128x64xf32, #tpu.memory_space<vmem_shared>>
      %dma_start3A_43 = arith.constant 0 : i32
      %dma_start3A_44 = tpu.memref_slice %arg11[%add3A_34, %dma_start3A_43] : memref<10240x64xf32, #tpu.memory_space<vmem_shared>> -> memref<128x64xf32, #tpu.memory_space<vmem_shared>>
      tpu.enqueue_dma source(%dma_start3A_44 : memref<128x64xf32, #tpu.memory_space<vmem_shared>>) target(%arg9 : memref<128x64xf32, #tpu.memory_space<vmem>>) target_semaphore(%run_scoped3A : memref<!tpu.dma_semaphore, #tpu.memory_space<semaphore_mem>>)
      %dma_wait3A = arith.constant 0 : i32
      %dma_wait3A_45 = tpu.memref_slice %arg11[%add3A_34, %dma_wait3A] : memref<10240x64xf32, #tpu.memory_space<vmem_shared>> -> memref<128x64xf32, #tpu.memory_space<vmem_shared>>
      %dma_wait3A_46 = arith.constant 0 : i32
      %dma_wait3A_47 = tpu.memref_slice %arg11[%add3A_34, %dma_wait3A_46] : memref<10240x64xf32, #tpu.memory_space<vmem_shared>> -> memref<128x64xf32, #tpu.memory_space<vmem_shared>>
      tpu.wait_dma2 semaphore(%run_scoped3A : memref<!tpu.dma_semaphore, #tpu.memory_space<semaphore_mem>>) src(%dma_wait3A_47 : memref<128x64xf32, #tpu.memory_space<vmem_shared>>) dst(%arg9 : memref<128x64xf32, #tpu.memory_space<vmem>>)
      tpu.yield
    }) : () -> ()
    "tpu.region"() ({
      %run_scoped3A = tpu.sem_alloc : memref<!tpu.dma_semaphore, #tpu.memory_space<semaphore_mem>>
      %dma_start3A_41 = arith.constant 0 : i32
      %dma_start3A_42 = tpu.memref_slice %arg6[%arg0, %add3A_34, %dma_start3A_41] : memref<2x10240x64xf32, #tpu.memory_space<hbm>> -> memref<1x128x64xf32, #tpu.memory_space<hbm>>
      %dma_start3A_43 = tpu.memref_squeeze %dma_start3A_42 : memref<1x128x64xf32, #tpu.memory_space<hbm>> -> memref<128x64xf32, #tpu.memory_space<hbm>>
      %dma_start3A_44 = arith.constant 0 : i32
      %dma_start3A_45 = tpu.memref_slice %arg6[%arg0, %add3A_34, %dma_start3A_44] : memref<2x10240x64xf32, #tpu.memory_space<hbm>> -> memref<1x128x64xf32, #tpu.memory_space<hbm>>
      %dma_start3A_46 = tpu.memref_squeeze %dma_start3A_45 : memref<1x128x64xf32, #tpu.memory_space<hbm>> -> memref<128x64xf32, #tpu.memory_space<hbm>>
      tpu.enqueue_dma source(%arg9 : memref<128x64xf32, #tpu.memory_space<vmem>>) target(%dma_start3A_46 : memref<128x64xf32, #tpu.memory_space<hbm>>) target_semaphore(%run_scoped3A : memref<!tpu.dma_semaphore, #tpu.memory_space<semaphore_mem>>)
      %dma_wait3A = arith.constant 0 : i32
      %dma_wait3A_47 = tpu.memref_slice %arg6[%arg0, %add3A_34, %dma_wait3A] : memref<2x10240x64xf32, #tpu.memory_space<hbm>> -> memref<1x128x64xf32, #tpu.memory_space<hbm>>
      %dma_wait3A_48 = tpu.memref_squeeze %dma_wait3A_47 : memref<1x128x64xf32, #tpu.memory_space<hbm>> -> memref<128x64xf32, #tpu.memory_space<hbm>>
      %dma_wait3A_49 = arith.constant 0 : i32
      %dma_wait3A_50 = tpu.memref_slice %arg6[%arg0, %add3A_34, %dma_wait3A_49] : memref<2x10240x64xf32, #tpu.memory_space<hbm>> -> memref<1x128x64xf32, #tpu.memory_space<hbm>>
      %dma_wait3A_51 = tpu.memref_squeeze %dma_wait3A_50 : memref<1x128x64xf32, #tpu.memory_space<hbm>> -> memref<128x64xf32, #tpu.memory_space<hbm>>
      tpu.wait_dma2 semaphore(%run_scoped3A : memref<!tpu.dma_semaphore, #tpu.memory_space<semaphore_mem>>) src(%arg9 : memref<128x64xf32, #tpu.memory_space<vmem>>) dst(%dma_wait3A_51 : memref<128x64xf32, #tpu.memory_space<hbm>>)
      tpu.yield
    }) : () -> ()
    %add3A_35 = arith.constant 256 : i32
    %add3A_36 = arith.addi %mul3A_0, %add3A_35 : i32
    "tpu.region"() ({
      %run_scoped3A = tpu.sem_alloc : memref<!tpu.dma_semaphore, #tpu.memory_space<semaphore_mem>>
      %dma_start3A_41 = arith.constant 0 : i32
      %dma_start3A_42 = tpu.memref_slice %arg11[%add3A_36, %dma_start3A_41] : memref<10240x64xf32, #tpu.memory_space<vmem_shared>> -> memref<128x64xf32, #tpu.memory_space<vmem_shared>>
      %dma_start3A_43 = arith.constant 0 : i32
      %dma_start3A_44 = tpu.memref_slice %arg11[%add3A_36, %dma_start3A_43] : memref<10240x64xf32, #tpu.memory_space<vmem_shared>> -> memref<128x64xf32, #tpu.memory_space<vmem_shared>>
      tpu.enqueue_dma source(%dma_start3A_44 : memref<128x64xf32, #tpu.memory_space<vmem_shared>>) target(%arg9 : memref<128x64xf32, #tpu.memory_space<vmem>>) target_semaphore(%run_scoped3A : memref<!tpu.dma_semaphore, #tpu.memory_space<semaphore_mem>>)
      %dma_wait3A = arith.constant 0 : i32
      %dma_wait3A_45 = tpu.memref_slice %arg11[%add3A_36, %dma_wait3A] : memref<10240x64xf32, #tpu.memory_space<vmem_shared>> -> memref<128x64xf32, #tpu.memory_space<vmem_shared>>
      %dma_wait3A_46 = arith.constant 0 : i32
      %dma_wait3A_47 = tpu.memref_slice %arg11[%add3A_36, %dma_wait3A_46] : memref<10240x64xf32, #tpu.memory_space<vmem_shared>> -> memref<128x64xf32, #tpu.memory_space<vmem_shared>>
      tpu.wait_dma2 semaphore(%run_scoped3A : memref<!tpu.dma_semaphore, #tpu.memory_space<semaphore_mem>>) src(%dma_wait3A_47 : memref<128x64xf32, #tpu.memory_space<vmem_shared>>) dst(%arg9 : memref<128x64xf32, #tpu.memory_space<vmem>>)
      tpu.yield
    }) : () -> ()
    "tpu.region"() ({
      %run_scoped3A = tpu.sem_alloc : memref<!tpu.dma_semaphore, #tpu.memory_space<semaphore_mem>>
      %dma_start3A_41 = arith.constant 0 : i32
      %dma_start3A_42 = tpu.memref_slice %arg6[%arg0, %add3A_36, %dma_start3A_41] : memref<2x10240x64xf32, #tpu.memory_space<hbm>> -> memref<1x128x64xf32, #tpu.memory_space<hbm>>
      %dma_start3A_43 = tpu.memref_squeeze %dma_start3A_42 : memref<1x128x64xf32, #tpu.memory_space<hbm>> -> memref<128x64xf32, #tpu.memory_space<hbm>>
      %dma_start3A_44 = arith.constant 0 : i32
      %dma_start3A_45 = tpu.memref_slice %arg6[%arg0, %add3A_36, %dma_start3A_44] : memref<2x10240x64xf32, #tpu.memory_space<hbm>> -> memref<1x128x64xf32, #tpu.memory_space<hbm>>
      %dma_start3A_46 = tpu.memref_squeeze %dma_start3A_45 : memref<1x128x64xf32, #tpu.memory_space<hbm>> -> memref<128x64xf32, #tpu.memory_space<hbm>>
      tpu.enqueue_dma source(%arg9 : memref<128x64xf32, #tpu.memory_space<vmem>>) target(%dma_start3A_46 : memref<128x64xf32, #tpu.memory_space<hbm>>) target_semaphore(%run_scoped3A : memref<!tpu.dma_semaphore, #tpu.memory_space<semaphore_mem>>)
      %dma_wait3A = arith.constant 0 : i32
      %dma_wait3A_47 = tpu.memref_slice %arg6[%arg0, %add3A_36, %dma_wait3A] : memref<2x10240x64xf32, #tpu.memory_space<hbm>> -> memref<1x128x64xf32, #tpu.memory_space<hbm>>
      %dma_wait3A_48 = tpu.memref_squeeze %dma_wait3A_47 : memref<1x128x64xf32, #tpu.memory_space<hbm>> -> memref<128x64xf32, #tpu.memory_space<hbm>>
      %dma_wait3A_49 = arith.constant 0 : i32
      %dma_wait3A_50 = tpu.memref_slice %arg6[%arg0, %add3A_36, %dma_wait3A_49] : memref<2x10240x64xf32, #tpu.memory_space<hbm>> -> memref<1x128x64xf32, #tpu.memory_space<hbm>>
      %dma_wait3A_51 = tpu.memref_squeeze %dma_wait3A_50 : memref<1x128x64xf32, #tpu.memory_space<hbm>> -> memref<128x64xf32, #tpu.memory_space<hbm>>
      tpu.wait_dma2 semaphore(%run_scoped3A : memref<!tpu.dma_semaphore, #tpu.memory_space<semaphore_mem>>) src(%arg9 : memref<128x64xf32, #tpu.memory_space<vmem>>) dst(%dma_wait3A_51 : memref<128x64xf32, #tpu.memory_space<hbm>>)
      tpu.yield
    }) : () -> ()
    %add3A_37 = arith.constant 384 : i32
    %add3A_38 = arith.addi %mul3A_0, %add3A_37 : i32
    "tpu.region"() ({
      %run_scoped3A = tpu.sem_alloc : memref<!tpu.dma_semaphore, #tpu.memory_space<semaphore_mem>>
      %dma_start3A_41 = arith.constant 0 : i32
      %dma_start3A_42 = tpu.memref_slice %arg11[%add3A_38, %dma_start3A_41] : memref<10240x64xf32, #tpu.memory_space<vmem_shared>> -> memref<128x64xf32, #tpu.memory_space<vmem_shared>>
      %dma_start3A_43 = arith.constant 0 : i32
      %dma_start3A_44 = tpu.memref_slice %arg11[%add3A_38, %dma_start3A_43] : memref<10240x64xf32, #tpu.memory_space<vmem_shared>> -> memref<128x64xf32, #tpu.memory_space<vmem_shared>>
      tpu.enqueue_dma source(%dma_start3A_44 : memref<128x64xf32, #tpu.memory_space<vmem_shared>>) target(%arg9 : memref<128x64xf32, #tpu.memory_space<vmem>>) target_semaphore(%run_scoped3A : memref<!tpu.dma_semaphore, #tpu.memory_space<semaphore_mem>>)
      %dma_wait3A = arith.constant 0 : i32
      %dma_wait3A_45 = tpu.memref_slice %arg11[%add3A_38, %dma_wait3A] : memref<10240x64xf32, #tpu.memory_space<vmem_shared>> -> memref<128x64xf32, #tpu.memory_space<vmem_shared>>
      %dma_wait3A_46 = arith.constant 0 : i32
      %dma_wait3A_47 = tpu.memref_slice %arg11[%add3A_38, %dma_wait3A_46] : memref<10240x64xf32, #tpu.memory_space<vmem_shared>> -> memref<128x64xf32, #tpu.memory_space<vmem_shared>>
      tpu.wait_dma2 semaphore(%run_scoped3A : memref<!tpu.dma_semaphore, #tpu.memory_space<semaphore_mem>>) src(%dma_wait3A_47 : memref<128x64xf32, #tpu.memory_space<vmem_shared>>) dst(%arg9 : memref<128x64xf32, #tpu.memory_space<vmem>>)
      tpu.yield
    }) : () -> ()
    "tpu.region"() ({
      %run_scoped3A = tpu.sem_alloc : memref<!tpu.dma_semaphore, #tpu.memory_space<semaphore_mem>>
      %dma_start3A_41 = arith.constant 0 : i32
      %dma_start3A_42 = tpu.memref_slice %arg6[%arg0, %add3A_38, %dma_start3A_41] : memref<2x10240x64xf32, #tpu.memory_space<hbm>> -> memref<1x128x64xf32, #tpu.memory_space<hbm>>
      %dma_start3A_43 = tpu.memref_squeeze %dma_start3A_42 : memref<1x128x64xf32, #tpu.memory_space<hbm>> -> memref<128x64xf32, #tpu.memory_space<hbm>>
      %dma_start3A_44 = arith.constant 0 : i32
      %dma_start3A_45 = tpu.memref_slice %arg6[%arg0, %add3A_38, %dma_start3A_44] : memref<2x10240x64xf32, #tpu.memory_space<hbm>> -> memref<1x128x64xf32, #tpu.memory_space<hbm>>
      %dma_start3A_46 = tpu.memref_squeeze %dma_start3A_45 : memref<1x128x64xf32, #tpu.memory_space<hbm>> -> memref<128x64xf32, #tpu.memory_space<hbm>>
      tpu.enqueue_dma source(%arg9 : memref<128x64xf32, #tpu.memory_space<vmem>>) target(%dma_start3A_46 : memref<128x64xf32, #tpu.memory_space<hbm>>) target_semaphore(%run_scoped3A : memref<!tpu.dma_semaphore, #tpu.memory_space<semaphore_mem>>)
      %dma_wait3A = arith.constant 0 : i32
      %dma_wait3A_47 = tpu.memref_slice %arg6[%arg0, %add3A_38, %dma_wait3A] : memref<2x10240x64xf32, #tpu.memory_space<hbm>> -> memref<1x128x64xf32, #tpu.memory_space<hbm>>
      %dma_wait3A_48 = tpu.memref_squeeze %dma_wait3A_47 : memref<1x128x64xf32, #tpu.memory_space<hbm>> -> memref<128x64xf32, #tpu.memory_space<hbm>>
      %dma_wait3A_49 = arith.constant 0 : i32
      %dma_wait3A_50 = tpu.memref_slice %arg6[%arg0, %add3A_38, %dma_wait3A_49] : memref<2x10240x64xf32, #tpu.memory_space<hbm>> -> memref<1x128x64xf32, #tpu.memory_space<hbm>>
      %dma_wait3A_51 = tpu.memref_squeeze %dma_wait3A_50 : memref<1x128x64xf32, #tpu.memory_space<hbm>> -> memref<128x64xf32, #tpu.memory_space<hbm>>
      tpu.wait_dma2 semaphore(%run_scoped3A : memref<!tpu.dma_semaphore, #tpu.memory_space<semaphore_mem>>) src(%arg9 : memref<128x64xf32, #tpu.memory_space<vmem>>) dst(%dma_wait3A_51 : memref<128x64xf32, #tpu.memory_space<hbm>>)
      tpu.yield
    }) : () -> ()
    %add3A_39 = arith.constant 512 : i32
    %add3A_40 = arith.addi %mul3A_0, %add3A_39 : i32
    "tpu.region"() ({
      %run_scoped3A = tpu.sem_alloc : memref<!tpu.dma_semaphore, #tpu.memory_space<semaphore_mem>>
      %dma_start3A_41 = arith.constant 0 : i32
      %dma_start3A_42 = tpu.memref_slice %arg11[%add3A_40, %dma_start3A_41] : memref<10240x64xf32, #tpu.memory_space<vmem_shared>> -> memref<128x64xf32, #tpu.memory_space<vmem_shared>>
      %dma_start3A_43 = arith.constant 0 : i32
      %dma_start3A_44 = tpu.memref_slice %arg11[%add3A_40, %dma_start3A_43] : memref<10240x64xf32, #tpu.memory_space<vmem_shared>> -> memref<128x64xf32, #tpu.memory_space<vmem_shared>>
      tpu.enqueue_dma source(%dma_start3A_44 : memref<128x64xf32, #tpu.memory_space<vmem_shared>>) target(%arg9 : memref<128x64xf32, #tpu.memory_space<vmem>>) target_semaphore(%run_scoped3A : memref<!tpu.dma_semaphore, #tpu.memory_space<semaphore_mem>>)
      %dma_wait3A = arith.constant 0 : i32
      %dma_wait3A_45 = tpu.memref_slice %arg11[%add3A_40, %dma_wait3A] : memref<10240x64xf32, #tpu.memory_space<vmem_shared>> -> memref<128x64xf32, #tpu.memory_space<vmem_shared>>
      %dma_wait3A_46 = arith.constant 0 : i32
      %dma_wait3A_47 = tpu.memref_slice %arg11[%add3A_40, %dma_wait3A_46] : memref<10240x64xf32, #tpu.memory_space<vmem_shared>> -> memref<128x64xf32, #tpu.memory_space<vmem_shared>>
      tpu.wait_dma2 semaphore(%run_scoped3A : memref<!tpu.dma_semaphore, #tpu.memory_space<semaphore_mem>>) src(%dma_wait3A_47 : memref<128x64xf32, #tpu.memory_space<vmem_shared>>) dst(%arg9 : memref<128x64xf32, #tpu.memory_space<vmem>>)
      tpu.yield
    }) : () -> ()
    "tpu.region"() ({
      %run_scoped3A = tpu.sem_alloc : memref<!tpu.dma_semaphore, #tpu.memory_space<semaphore_mem>>
      %dma_start3A_41 = arith.constant 0 : i32
      %dma_start3A_42 = tpu.memref_slice %arg6[%arg0, %add3A_40, %dma_start3A_41] : memref<2x10240x64xf32, #tpu.memory_space<hbm>> -> memref<1x128x64xf32, #tpu.memory_space<hbm>>
      %dma_start3A_43 = tpu.memref_squeeze %dma_start3A_42 : memref<1x128x64xf32, #tpu.memory_space<hbm>> -> memref<128x64xf32, #tpu.memory_space<hbm>>
      %dma_start3A_44 = arith.constant 0 : i32
      %dma_start3A_45 = tpu.memref_slice %arg6[%arg0, %add3A_40, %dma_start3A_44] : memref<2x10240x64xf32, #tpu.memory_space<hbm>> -> memref<1x128x64xf32, #tpu.memory_space<hbm>>
      %dma_start3A_46 = tpu.memref_squeeze %dma_start3A_45 : memref<1x128x64xf32, #tpu.memory_space<hbm>> -> memref<128x64xf32, #tpu.memory_space<hbm>>
      tpu.enqueue_dma source(%arg9 : memref<128x64xf32, #tpu.memory_space<vmem>>) target(%dma_start3A_46 : memref<128x64xf32, #tpu.memory_space<hbm>>) target_semaphore(%run_scoped3A : memref<!tpu.dma_semaphore, #tpu.memory_space<semaphore_mem>>)
      %dma_wait3A = arith.constant 0 : i32
      %dma_wait3A_47 = tpu.memref_slice %arg6[%arg0, %add3A_40, %dma_wait3A] : memref<2x10240x64xf32, #tpu.memory_space<hbm>> -> memref<1x128x64xf32, #tpu.memory_space<hbm>>
      %dma_wait3A_48 = tpu.memref_squeeze %dma_wait3A_47 : memref<1x128x64xf32, #tpu.memory_space<hbm>> -> memref<128x64xf32, #tpu.memory_space<hbm>>
      %dma_wait3A_49 = arith.constant 0 : i32
      %dma_wait3A_50 = tpu.memref_slice %arg6[%arg0, %add3A_40, %dma_wait3A_49] : memref<2x10240x64xf32, #tpu.memory_space<hbm>> -> memref<1x128x64xf32, #tpu.memory_space<hbm>>
      %dma_wait3A_51 = tpu.memref_squeeze %dma_wait3A_50 : memref<1x128x64xf32, #tpu.memory_space<hbm>> -> memref<128x64xf32, #tpu.memory_space<hbm>>
      tpu.wait_dma2 semaphore(%run_scoped3A : memref<!tpu.dma_semaphore, #tpu.memory_space<semaphore_mem>>) src(%arg9 : memref<128x64xf32, #tpu.memory_space<vmem>>) dst(%dma_wait3A_51 : memref<128x64xf32, #tpu.memory_space<hbm>>)
      tpu.yield
    }) : () -> ()
    return
  }
}

#map = affine_map<(d0, d1) -> (0, 0)>
#map1 = affine_map<(d0, d1) -> (0, 0, 0)>
module attributes {stable_mosaic.version = 14 : i64} {
  func.func @agg(%arg0: i32, %arg1: i32, %arg2: memref<2560x128xi32, #tpu.memory_space<hbm>>, %arg3: memref<2560x128xi32, #tpu.memory_space<hbm>>, %arg4: memref<10240x128xf32, #tpu.memory_space<hbm>>, %arg5: memref<128x128xf32, #tpu.memory_space<hbm>>, %arg6: memref<2x10240x128xf32, #tpu.memory_space<hbm>>, %arg7: memref<40x128xi32, #tpu.memory_space<vmem>>, %arg8: memref<80x128xi32, #tpu.memory_space<vmem>>, %arg9: memref<128x128xf32, #tpu.memory_space<vmem>>, %arg10: memref<128x128xf32, #tpu.memory_space<vmem>>, %arg11: memref<10240x128xf32, #tpu.memory_space<vmem_shared>>, %arg12: memref<!tpu.dma_semaphore, #tpu.memory_space<semaphore_mem>>, %arg13: memref<!tpu.dma_semaphore, #tpu.memory_space<semaphore_mem>>) attributes {dimension_semantics = [#tpu.dimension_semantics<core_parallel>, #tpu.dimension_semantics<subcore_parallel>], iteration_bounds = array<i64: 2, 16>, scalar_prefetch = 0 : i64, scratch_operands = 7 : i64, tpu.core_type = #tpu.core_type<sc_vector_subcore>, window_params = [{transform_indices = #map}, {transform_indices = #map}, {transform_indices = #map}, {transform_indices = #map}, {transform_indices = #map1}]} {
    "tpu.region"() ({
      %run_scoped3A = tpu.sem_alloc : memref<!tpu.dma_semaphore, #tpu.memory_space<semaphore_mem>>
      tpu.enqueue_dma source(%arg5 : memref<128x128xf32, #tpu.memory_space<hbm>>) target(%arg9 : memref<128x128xf32, #tpu.memory_space<vmem>>) target_semaphore(%run_scoped3A : memref<!tpu.dma_semaphore, #tpu.memory_space<semaphore_mem>>)
      tpu.wait_dma2 semaphore(%run_scoped3A : memref<!tpu.dma_semaphore, #tpu.memory_space<semaphore_mem>>) src(%arg5 : memref<128x128xf32, #tpu.memory_space<hbm>>) dst(%arg9 : memref<128x128xf32, #tpu.memory_space<vmem>>)
      tpu.yield
    }) : () -> ()
    %mul3A = arith.constant 640 : i32
    %mul3A_0 = arith.muli %arg1, %mul3A : i32
    %add3A = arith.constant 0 : i32
    %add3A_1 = arith.addi %mul3A_0, %add3A : i32
    "tpu.region"() ({
      %run_scoped3A = tpu.sem_alloc : memref<!tpu.dma_semaphore, #tpu.memory_space<semaphore_mem>>
      %dma_start3A_58 = arith.constant 0 : i32
      %dma_start3A_59 = tpu.memref_slice %arg11[%add3A_1, %dma_start3A_58] : memref<10240x128xf32, #tpu.memory_space<vmem_shared>> -> memref<128x128xf32, #tpu.memory_space<vmem_shared>>
      %dma_start3A_60 = arith.constant 0 : i32
      %dma_start3A_61 = tpu.memref_slice %arg11[%add3A_1, %dma_start3A_60] : memref<10240x128xf32, #tpu.memory_space<vmem_shared>> -> memref<128x128xf32, #tpu.memory_space<vmem_shared>>
      tpu.enqueue_dma source(%arg9 : memref<128x128xf32, #tpu.memory_space<vmem>>) target(%dma_start3A_61 : memref<128x128xf32, #tpu.memory_space<vmem_shared>>) target_semaphore(%run_scoped3A : memref<!tpu.dma_semaphore, #tpu.memory_space<semaphore_mem>>)
      %dma_wait3A = arith.constant 0 : i32
      %dma_wait3A_62 = tpu.memref_slice %arg11[%add3A_1, %dma_wait3A] : memref<10240x128xf32, #tpu.memory_space<vmem_shared>> -> memref<128x128xf32, #tpu.memory_space<vmem_shared>>
      %dma_wait3A_63 = arith.constant 0 : i32
      %dma_wait3A_64 = tpu.memref_slice %arg11[%add3A_1, %dma_wait3A_63] : memref<10240x128xf32, #tpu.memory_space<vmem_shared>> -> memref<128x128xf32, #tpu.memory_space<vmem_shared>>
      tpu.wait_dma2 semaphore(%run_scoped3A : memref<!tpu.dma_semaphore, #tpu.memory_space<semaphore_mem>>) src(%arg9 : memref<128x128xf32, #tpu.memory_space<vmem>>) dst(%dma_wait3A_64 : memref<128x128xf32, #tpu.memory_space<vmem_shared>>)
      tpu.yield
    }) : () -> ()
    %add3A_2 = arith.constant 128 : i32
    %add3A_3 = arith.addi %mul3A_0, %add3A_2 : i32
    "tpu.region"() ({
      %run_scoped3A = tpu.sem_alloc : memref<!tpu.dma_semaphore, #tpu.memory_space<semaphore_mem>>
      %dma_start3A_58 = arith.constant 0 : i32
      %dma_start3A_59 = tpu.memref_slice %arg11[%add3A_3, %dma_start3A_58] : memref<10240x128xf32, #tpu.memory_space<vmem_shared>> -> memref<128x128xf32, #tpu.memory_space<vmem_shared>>
      %dma_start3A_60 = arith.constant 0 : i32
      %dma_start3A_61 = tpu.memref_slice %arg11[%add3A_3, %dma_start3A_60] : memref<10240x128xf32, #tpu.memory_space<vmem_shared>> -> memref<128x128xf32, #tpu.memory_space<vmem_shared>>
      tpu.enqueue_dma source(%arg9 : memref<128x128xf32, #tpu.memory_space<vmem>>) target(%dma_start3A_61 : memref<128x128xf32, #tpu.memory_space<vmem_shared>>) target_semaphore(%run_scoped3A : memref<!tpu.dma_semaphore, #tpu.memory_space<semaphore_mem>>)
      %dma_wait3A = arith.constant 0 : i32
      %dma_wait3A_62 = tpu.memref_slice %arg11[%add3A_3, %dma_wait3A] : memref<10240x128xf32, #tpu.memory_space<vmem_shared>> -> memref<128x128xf32, #tpu.memory_space<vmem_shared>>
      %dma_wait3A_63 = arith.constant 0 : i32
      %dma_wait3A_64 = tpu.memref_slice %arg11[%add3A_3, %dma_wait3A_63] : memref<10240x128xf32, #tpu.memory_space<vmem_shared>> -> memref<128x128xf32, #tpu.memory_space<vmem_shared>>
      tpu.wait_dma2 semaphore(%run_scoped3A : memref<!tpu.dma_semaphore, #tpu.memory_space<semaphore_mem>>) src(%arg9 : memref<128x128xf32, #tpu.memory_space<vmem>>) dst(%dma_wait3A_64 : memref<128x128xf32, #tpu.memory_space<vmem_shared>>)
      tpu.yield
    }) : () -> ()
    %add3A_4 = arith.constant 256 : i32
    %add3A_5 = arith.addi %mul3A_0, %add3A_4 : i32
    "tpu.region"() ({
      %run_scoped3A = tpu.sem_alloc : memref<!tpu.dma_semaphore, #tpu.memory_space<semaphore_mem>>
      %dma_start3A_58 = arith.constant 0 : i32
      %dma_start3A_59 = tpu.memref_slice %arg11[%add3A_5, %dma_start3A_58] : memref<10240x128xf32, #tpu.memory_space<vmem_shared>> -> memref<128x128xf32, #tpu.memory_space<vmem_shared>>
      %dma_start3A_60 = arith.constant 0 : i32
      %dma_start3A_61 = tpu.memref_slice %arg11[%add3A_5, %dma_start3A_60] : memref<10240x128xf32, #tpu.memory_space<vmem_shared>> -> memref<128x128xf32, #tpu.memory_space<vmem_shared>>
      tpu.enqueue_dma source(%arg9 : memref<128x128xf32, #tpu.memory_space<vmem>>) target(%dma_start3A_61 : memref<128x128xf32, #tpu.memory_space<vmem_shared>>) target_semaphore(%run_scoped3A : memref<!tpu.dma_semaphore, #tpu.memory_space<semaphore_mem>>)
      %dma_wait3A = arith.constant 0 : i32
      %dma_wait3A_62 = tpu.memref_slice %arg11[%add3A_5, %dma_wait3A] : memref<10240x128xf32, #tpu.memory_space<vmem_shared>> -> memref<128x128xf32, #tpu.memory_space<vmem_shared>>
      %dma_wait3A_63 = arith.constant 0 : i32
      %dma_wait3A_64 = tpu.memref_slice %arg11[%add3A_5, %dma_wait3A_63] : memref<10240x128xf32, #tpu.memory_space<vmem_shared>> -> memref<128x128xf32, #tpu.memory_space<vmem_shared>>
      tpu.wait_dma2 semaphore(%run_scoped3A : memref<!tpu.dma_semaphore, #tpu.memory_space<semaphore_mem>>) src(%arg9 : memref<128x128xf32, #tpu.memory_space<vmem>>) dst(%dma_wait3A_64 : memref<128x128xf32, #tpu.memory_space<vmem_shared>>)
      tpu.yield
    }) : () -> ()
    %add3A_6 = arith.constant 384 : i32
    %add3A_7 = arith.addi %mul3A_0, %add3A_6 : i32
    "tpu.region"() ({
      %run_scoped3A = tpu.sem_alloc : memref<!tpu.dma_semaphore, #tpu.memory_space<semaphore_mem>>
      %dma_start3A_58 = arith.constant 0 : i32
      %dma_start3A_59 = tpu.memref_slice %arg11[%add3A_7, %dma_start3A_58] : memref<10240x128xf32, #tpu.memory_space<vmem_shared>> -> memref<128x128xf32, #tpu.memory_space<vmem_shared>>
      %dma_start3A_60 = arith.constant 0 : i32
      %dma_start3A_61 = tpu.memref_slice %arg11[%add3A_7, %dma_start3A_60] : memref<10240x128xf32, #tpu.memory_space<vmem_shared>> -> memref<128x128xf32, #tpu.memory_space<vmem_shared>>
      tpu.enqueue_dma source(%arg9 : memref<128x128xf32, #tpu.memory_space<vmem>>) target(%dma_start3A_61 : memref<128x128xf32, #tpu.memory_space<vmem_shared>>) target_semaphore(%run_scoped3A : memref<!tpu.dma_semaphore, #tpu.memory_space<semaphore_mem>>)
      %dma_wait3A = arith.constant 0 : i32
      %dma_wait3A_62 = tpu.memref_slice %arg11[%add3A_7, %dma_wait3A] : memref<10240x128xf32, #tpu.memory_space<vmem_shared>> -> memref<128x128xf32, #tpu.memory_space<vmem_shared>>
      %dma_wait3A_63 = arith.constant 0 : i32
      %dma_wait3A_64 = tpu.memref_slice %arg11[%add3A_7, %dma_wait3A_63] : memref<10240x128xf32, #tpu.memory_space<vmem_shared>> -> memref<128x128xf32, #tpu.memory_space<vmem_shared>>
      tpu.wait_dma2 semaphore(%run_scoped3A : memref<!tpu.dma_semaphore, #tpu.memory_space<semaphore_mem>>) src(%arg9 : memref<128x128xf32, #tpu.memory_space<vmem>>) dst(%dma_wait3A_64 : memref<128x128xf32, #tpu.memory_space<vmem_shared>>)
      tpu.yield
    }) : () -> ()
    %add3A_8 = arith.constant 512 : i32
    %add3A_9 = arith.addi %mul3A_0, %add3A_8 : i32
    "tpu.region"() ({
      %run_scoped3A = tpu.sem_alloc : memref<!tpu.dma_semaphore, #tpu.memory_space<semaphore_mem>>
      %dma_start3A_58 = arith.constant 0 : i32
      %dma_start3A_59 = tpu.memref_slice %arg11[%add3A_9, %dma_start3A_58] : memref<10240x128xf32, #tpu.memory_space<vmem_shared>> -> memref<128x128xf32, #tpu.memory_space<vmem_shared>>
      %dma_start3A_60 = arith.constant 0 : i32
      %dma_start3A_61 = tpu.memref_slice %arg11[%add3A_9, %dma_start3A_60] : memref<10240x128xf32, #tpu.memory_space<vmem_shared>> -> memref<128x128xf32, #tpu.memory_space<vmem_shared>>
      tpu.enqueue_dma source(%arg9 : memref<128x128xf32, #tpu.memory_space<vmem>>) target(%dma_start3A_61 : memref<128x128xf32, #tpu.memory_space<vmem_shared>>) target_semaphore(%run_scoped3A : memref<!tpu.dma_semaphore, #tpu.memory_space<semaphore_mem>>)
      %dma_wait3A = arith.constant 0 : i32
      %dma_wait3A_62 = tpu.memref_slice %arg11[%add3A_9, %dma_wait3A] : memref<10240x128xf32, #tpu.memory_space<vmem_shared>> -> memref<128x128xf32, #tpu.memory_space<vmem_shared>>
      %dma_wait3A_63 = arith.constant 0 : i32
      %dma_wait3A_64 = tpu.memref_slice %arg11[%add3A_9, %dma_wait3A_63] : memref<10240x128xf32, #tpu.memory_space<vmem_shared>> -> memref<128x128xf32, #tpu.memory_space<vmem_shared>>
      tpu.wait_dma2 semaphore(%run_scoped3A : memref<!tpu.dma_semaphore, #tpu.memory_space<semaphore_mem>>) src(%arg9 : memref<128x128xf32, #tpu.memory_space<vmem>>) dst(%dma_wait3A_64 : memref<128x128xf32, #tpu.memory_space<vmem_shared>>)
      tpu.yield
    }) : () -> ()
    %mul3A_10 = arith.constant 16 : i32
    %mul3A_11 = arith.muli %arg0, %mul3A_10 : i32
    %add3A_12 = arith.addi %mul3A_11, %arg1 : i32
    %mul3A_13 = arith.constant 80 : i32
    %mul3A_14 = arith.muli %add3A_12, %mul3A_13 : i32
    "tpu.region"() ({
      %run_scoped3A = tpu.sem_alloc : memref<!tpu.dma_semaphore, #tpu.memory_space<semaphore_mem>>
      %dma_start3A_58 = arith.constant 0 : i32
      %dma_start3A_59 = tpu.memref_slice %arg3[%mul3A_14, %dma_start3A_58] : memref<2560x128xi32, #tpu.memory_space<hbm>> -> memref<80x128xi32, #tpu.memory_space<hbm>>
      %dma_start3A_60 = arith.constant 0 : i32
      %dma_start3A_61 = tpu.memref_slice %arg3[%mul3A_14, %dma_start3A_60] : memref<2560x128xi32, #tpu.memory_space<hbm>> -> memref<80x128xi32, #tpu.memory_space<hbm>>
      tpu.enqueue_dma source(%dma_start3A_61 : memref<80x128xi32, #tpu.memory_space<hbm>>) target(%arg8 : memref<80x128xi32, #tpu.memory_space<vmem>>) target_semaphore(%run_scoped3A : memref<!tpu.dma_semaphore, #tpu.memory_space<semaphore_mem>>)
      %dma_wait3A = arith.constant 0 : i32
      %dma_wait3A_62 = tpu.memref_slice %arg3[%mul3A_14, %dma_wait3A] : memref<2560x128xi32, #tpu.memory_space<hbm>> -> memref<80x128xi32, #tpu.memory_space<hbm>>
      %dma_wait3A_63 = arith.constant 0 : i32
      %dma_wait3A_64 = tpu.memref_slice %arg3[%mul3A_14, %dma_wait3A_63] : memref<2560x128xi32, #tpu.memory_space<hbm>> -> memref<80x128xi32, #tpu.memory_space<hbm>>
      tpu.wait_dma2 semaphore(%run_scoped3A : memref<!tpu.dma_semaphore, #tpu.memory_space<semaphore_mem>>) src(%dma_wait3A_64 : memref<80x128xi32, #tpu.memory_space<hbm>>) dst(%arg8 : memref<80x128xi32, #tpu.memory_space<vmem>>)
      tpu.yield
    }) : () -> ()
    %barrier3A = arith.constant 0 : index
    tpu.barrier barrier_id(%barrier3A)
    %mul3A_15 = arith.constant 80 : i32
    %mul3A_16 = arith.muli %add3A_12, %mul3A_15 : i32
    %add3A_17 = arith.constant 0 : i32
    %add3A_18 = arith.addi %mul3A_16, %add3A_17 : i32
    "tpu.region"() ({
      %run_scoped3A = tpu.sem_alloc : memref<!tpu.dma_semaphore, #tpu.memory_space<semaphore_mem>>
      %dma_start3A_58 = arith.constant 0 : i32
      %dma_start3A_59 = tpu.memref_slice %arg2[%add3A_18, %dma_start3A_58] : memref<2560x128xi32, #tpu.memory_space<hbm>> -> memref<40x128xi32, #tpu.memory_space<hbm>>
      %dma_start3A_60 = arith.constant 0 : i32
      %dma_start3A_61 = tpu.memref_slice %arg2[%add3A_18, %dma_start3A_60] : memref<2560x128xi32, #tpu.memory_space<hbm>> -> memref<40x128xi32, #tpu.memory_space<hbm>>
      tpu.enqueue_dma source(%dma_start3A_61 : memref<40x128xi32, #tpu.memory_space<hbm>>) target(%arg7 : memref<40x128xi32, #tpu.memory_space<vmem>>) target_semaphore(%run_scoped3A : memref<!tpu.dma_semaphore, #tpu.memory_space<semaphore_mem>>)
      %dma_wait3A = arith.constant 0 : i32
      %dma_wait3A_62 = tpu.memref_slice %arg2[%add3A_18, %dma_wait3A] : memref<2560x128xi32, #tpu.memory_space<hbm>> -> memref<40x128xi32, #tpu.memory_space<hbm>>
      %dma_wait3A_63 = arith.constant 0 : i32
      %dma_wait3A_64 = tpu.memref_slice %arg2[%add3A_18, %dma_wait3A_63] : memref<2560x128xi32, #tpu.memory_space<hbm>> -> memref<40x128xi32, #tpu.memory_space<hbm>>
      tpu.wait_dma2 semaphore(%run_scoped3A : memref<!tpu.dma_semaphore, #tpu.memory_space<semaphore_mem>>) src(%dma_wait3A_64 : memref<40x128xi32, #tpu.memory_space<hbm>>) dst(%arg7 : memref<40x128xi32, #tpu.memory_space<vmem>>)
      tpu.yield
    }) : () -> ()
    %dma_start3A = arith.constant 0 : i32
    %dma_start3A_19 = arith.constant 0 : i32
    %dma_start3A_20 = tpu.memref_slice %arg7[%dma_start3A, %dma_start3A_19] : memref<40x128xi32, #tpu.memory_space<vmem>> -> memref<1x128xi32, #tpu.memory_space<vmem>>
    %dma_start3A_21 = tpu.memref_squeeze %dma_start3A_20 : memref<1x128xi32, #tpu.memory_space<vmem>> -> memref<128xi32, #tpu.memory_space<vmem>>
    %dma_start3A_22 = arith.constant 0 : i32
    %dma_start3A_23 = arith.constant 0 : i32
    %dma_start3A_24 = tpu.memref_slice %arg4[%dma_start3A_22, %dma_start3A_23] : memref<10240x128xf32, #tpu.memory_space<hbm>> -> memref<10240x128xf32, #tpu.memory_space<hbm>>
    tpu.enqueue_indirect_dma source(%dma_start3A_24 : memref<10240x128xf32, #tpu.memory_space<hbm>>) target(%arg9 : memref<128x128xf32, #tpu.memory_space<vmem>>) offsets(%dma_start3A_21 : memref<128xi32, #tpu.memory_space<vmem>>) semaphore(%arg12 : memref<!tpu.dma_semaphore, #tpu.memory_space<semaphore_mem>>)
    %scan3A = arith.constant 0 : i32
    %scan3A_25 = arith.constant 0 : i32
    %scan3A_26 = arith.constant 20 : i32
    %scan3A_27 = arith.addi %scan3A_25, %scan3A_26 : i32
    %scan3A_28 = arith.constant 1 : i32
    scf.for %scan3A_58 = %scan3A_25 to %scan3A_27 step %scan3A_28  : i32 {
      %mul3A_59 = arith.constant 2 : i32
      %mul3A_60 = arith.muli %mul3A_59, %scan3A_58 : i32
      %add3A_61 = arith.constant 1 : i32
      %add3A_62 = arith.addi %mul3A_60, %add3A_61 : i32
      %dma_start3A_63 = arith.constant 0 : i32
      %dma_start3A_64 = tpu.memref_slice %arg7[%add3A_62, %dma_start3A_63] : memref<40x128xi32, #tpu.memory_space<vmem>> -> memref<1x128xi32, #tpu.memory_space<vmem>>
      %dma_start3A_65 = tpu.memref_squeeze %dma_start3A_64 : memref<1x128xi32, #tpu.memory_space<vmem>> -> memref<128xi32, #tpu.memory_space<vmem>>
      %dma_start3A_66 = arith.constant 0 : i32
      %dma_start3A_67 = arith.constant 0 : i32
      %dma_start3A_68 = tpu.memref_slice %arg4[%dma_start3A_66, %dma_start3A_67] : memref<10240x128xf32, #tpu.memory_space<hbm>> -> memref<10240x128xf32, #tpu.memory_space<hbm>>
      tpu.enqueue_indirect_dma source(%dma_start3A_68 : memref<10240x128xf32, #tpu.memory_space<hbm>>) target(%arg10 : memref<128x128xf32, #tpu.memory_space<vmem>>) offsets(%dma_start3A_65 : memref<128xi32, #tpu.memory_space<vmem>>) semaphore(%arg13 : memref<!tpu.dma_semaphore, #tpu.memory_space<semaphore_mem>>)
      %dma_wait3A = arith.constant 0 : i32
      %dma_wait3A_69 = tpu.memref_slice %arg7[%mul3A_60, %dma_wait3A] : memref<40x128xi32, #tpu.memory_space<vmem>> -> memref<1x128xi32, #tpu.memory_space<vmem>>
      %dma_wait3A_70 = tpu.memref_squeeze %dma_wait3A_69 : memref<1x128xi32, #tpu.memory_space<vmem>> -> memref<128xi32, #tpu.memory_space<vmem>>
      %dma_wait3A_71 = arith.constant 0 : i32
      %dma_wait3A_72 = arith.constant 0 : i32
      %dma_wait3A_73 = tpu.memref_slice %arg4[%dma_wait3A_71, %dma_wait3A_72] : memref<10240x128xf32, #tpu.memory_space<hbm>> -> memref<10240x128xf32, #tpu.memory_space<hbm>>
      tpu.wait_indirect_dma semaphore(%arg12 : memref<!tpu.dma_semaphore, #tpu.memory_space<semaphore_mem>>) src(%dma_wait3A_73 : memref<10240x128xf32, #tpu.memory_space<hbm>>) dst(%arg9 : memref<128x128xf32, #tpu.memory_space<vmem>>)
      %add3A_74 = arith.constant 0 : i32
      %add3A_75 = arith.addi %add3A_74, %mul3A_60 : i32
      "tpu.region"() ({
        %run_scoped3A = tpu.sem_alloc : memref<!tpu.dma_semaphore, #tpu.memory_space<semaphore_mem>>
        %dma_start3A_90 = arith.constant 0 : i32
        %dma_start3A_91 = tpu.memref_slice %arg8[%add3A_75, %dma_start3A_90] : memref<80x128xi32, #tpu.memory_space<vmem>> -> memref<1x128xi32, #tpu.memory_space<vmem>>
        %dma_start3A_92 = tpu.memref_squeeze %dma_start3A_91 : memref<1x128xi32, #tpu.memory_space<vmem>> -> memref<128xi32, #tpu.memory_space<vmem>>
        %dma_start3A_93 = arith.constant 0 : i32
        %dma_start3A_94 = arith.constant 0 : i32
        %dma_start3A_95 = tpu.memref_slice %arg11[%dma_start3A_93, %dma_start3A_94] : memref<10240x128xf32, #tpu.memory_space<vmem_shared>> -> memref<10240x128xf32, #tpu.memory_space<vmem_shared>>
        tpu.enqueue_indirect_dma source(%arg9 : memref<128x128xf32, #tpu.memory_space<vmem>>) target(%dma_start3A_95 : memref<10240x128xf32, #tpu.memory_space<vmem_shared>>) offsets(%dma_start3A_92 : memref<128xi32, #tpu.memory_space<vmem>>) semaphore(%run_scoped3A : memref<!tpu.dma_semaphore, #tpu.memory_space<semaphore_mem>>) {add = true}
        %dma_wait3A_96 = arith.constant 0 : i32
        %dma_wait3A_97 = tpu.memref_slice %arg8[%add3A_75, %dma_wait3A_96] : memref<80x128xi32, #tpu.memory_space<vmem>> -> memref<1x128xi32, #tpu.memory_space<vmem>>
        %dma_wait3A_98 = tpu.memref_squeeze %dma_wait3A_97 : memref<1x128xi32, #tpu.memory_space<vmem>> -> memref<128xi32, #tpu.memory_space<vmem>>
        %dma_wait3A_99 = arith.constant 0 : i32
        %dma_wait3A_100 = arith.constant 0 : i32
        %dma_wait3A_101 = tpu.memref_slice %arg11[%dma_wait3A_99, %dma_wait3A_100] : memref<10240x128xf32, #tpu.memory_space<vmem_shared>> -> memref<10240x128xf32, #tpu.memory_space<vmem_shared>>
        tpu.wait_indirect_dma semaphore(%run_scoped3A : memref<!tpu.dma_semaphore, #tpu.memory_space<semaphore_mem>>) src(%arg9 : memref<128x128xf32, #tpu.memory_space<vmem>>) dst(%dma_wait3A_101 : memref<10240x128xf32, #tpu.memory_space<vmem_shared>>)
        tpu.yield
      }) : () -> ()
      %lt3A = arith.constant 19 : i32
      %lt3A_76 = arith.cmpi slt, %scan3A_58, %lt3A : i32
      %convert_element_type3A = arith.extui %lt3A_76 : i1 to i32
      %cond3A = arith.constant 0 : i32
      %cond3A_77 = arith.cmpi ne, %convert_element_type3A, %cond3A : i32
      scf.if %cond3A_77 {
        %add3A_90 = arith.constant 2 : i32
        %add3A_91 = arith.addi %mul3A_60, %add3A_90 : i32
        %dma_start3A_92 = arith.constant 0 : i32
        %dma_start3A_93 = tpu.memref_slice %arg7[%add3A_91, %dma_start3A_92] : memref<40x128xi32, #tpu.memory_space<vmem>> -> memref<1x128xi32, #tpu.memory_space<vmem>>
        %dma_start3A_94 = tpu.memref_squeeze %dma_start3A_93 : memref<1x128xi32, #tpu.memory_space<vmem>> -> memref<128xi32, #tpu.memory_space<vmem>>
        %dma_start3A_95 = arith.constant 0 : i32
        %dma_start3A_96 = arith.constant 0 : i32
        %dma_start3A_97 = tpu.memref_slice %arg4[%dma_start3A_95, %dma_start3A_96] : memref<10240x128xf32, #tpu.memory_space<hbm>> -> memref<10240x128xf32, #tpu.memory_space<hbm>>
        tpu.enqueue_indirect_dma source(%dma_start3A_97 : memref<10240x128xf32, #tpu.memory_space<hbm>>) target(%arg9 : memref<128x128xf32, #tpu.memory_space<vmem>>) offsets(%dma_start3A_94 : memref<128xi32, #tpu.memory_space<vmem>>) semaphore(%arg12 : memref<!tpu.dma_semaphore, #tpu.memory_space<semaphore_mem>>)
      } else {
      }
      %add3A_78 = arith.constant 1 : i32
      %add3A_79 = arith.addi %mul3A_60, %add3A_78 : i32
      %dma_wait3A_80 = arith.constant 0 : i32
      %dma_wait3A_81 = tpu.memref_slice %arg7[%add3A_79, %dma_wait3A_80] : memref<40x128xi32, #tpu.memory_space<vmem>> -> memref<1x128xi32, #tpu.memory_space<vmem>>
      %dma_wait3A_82 = tpu.memref_squeeze %dma_wait3A_81 : memref<1x128xi32, #tpu.memory_space<vmem>> -> memref<128xi32, #tpu.memory_space<vmem>>
      %dma_wait3A_83 = arith.constant 0 : i32
      %dma_wait3A_84 = arith.constant 0 : i32
      %dma_wait3A_85 = tpu.memref_slice %arg4[%dma_wait3A_83, %dma_wait3A_84] : memref<10240x128xf32, #tpu.memory_space<hbm>> -> memref<10240x128xf32, #tpu.memory_space<hbm>>
      tpu.wait_indirect_dma semaphore(%arg13 : memref<!tpu.dma_semaphore, #tpu.memory_space<semaphore_mem>>) src(%dma_wait3A_85 : memref<10240x128xf32, #tpu.memory_space<hbm>>) dst(%arg10 : memref<128x128xf32, #tpu.memory_space<vmem>>)
      %add3A_86 = arith.constant 0 : i32
      %add3A_87 = arith.addi %add3A_86, %mul3A_60 : i32
      %add3A_88 = arith.constant 1 : i32
      %add3A_89 = arith.addi %add3A_87, %add3A_88 : i32
      "tpu.region"() ({
        %run_scoped3A = tpu.sem_alloc : memref<!tpu.dma_semaphore, #tpu.memory_space<semaphore_mem>>
        %dma_start3A_90 = arith.constant 0 : i32
        %dma_start3A_91 = tpu.memref_slice %arg8[%add3A_89, %dma_start3A_90] : memref<80x128xi32, #tpu.memory_space<vmem>> -> memref<1x128xi32, #tpu.memory_space<vmem>>
        %dma_start3A_92 = tpu.memref_squeeze %dma_start3A_91 : memref<1x128xi32, #tpu.memory_space<vmem>> -> memref<128xi32, #tpu.memory_space<vmem>>
        %dma_start3A_93 = arith.constant 0 : i32
        %dma_start3A_94 = arith.constant 0 : i32
        %dma_start3A_95 = tpu.memref_slice %arg11[%dma_start3A_93, %dma_start3A_94] : memref<10240x128xf32, #tpu.memory_space<vmem_shared>> -> memref<10240x128xf32, #tpu.memory_space<vmem_shared>>
        tpu.enqueue_indirect_dma source(%arg10 : memref<128x128xf32, #tpu.memory_space<vmem>>) target(%dma_start3A_95 : memref<10240x128xf32, #tpu.memory_space<vmem_shared>>) offsets(%dma_start3A_92 : memref<128xi32, #tpu.memory_space<vmem>>) semaphore(%run_scoped3A : memref<!tpu.dma_semaphore, #tpu.memory_space<semaphore_mem>>) {add = true}
        %dma_wait3A_96 = arith.constant 0 : i32
        %dma_wait3A_97 = tpu.memref_slice %arg8[%add3A_89, %dma_wait3A_96] : memref<80x128xi32, #tpu.memory_space<vmem>> -> memref<1x128xi32, #tpu.memory_space<vmem>>
        %dma_wait3A_98 = tpu.memref_squeeze %dma_wait3A_97 : memref<1x128xi32, #tpu.memory_space<vmem>> -> memref<128xi32, #tpu.memory_space<vmem>>
        %dma_wait3A_99 = arith.constant 0 : i32
        %dma_wait3A_100 = arith.constant 0 : i32
        %dma_wait3A_101 = tpu.memref_slice %arg11[%dma_wait3A_99, %dma_wait3A_100] : memref<10240x128xf32, #tpu.memory_space<vmem_shared>> -> memref<10240x128xf32, #tpu.memory_space<vmem_shared>>
        tpu.wait_indirect_dma semaphore(%run_scoped3A : memref<!tpu.dma_semaphore, #tpu.memory_space<semaphore_mem>>) src(%arg10 : memref<128x128xf32, #tpu.memory_space<vmem>>) dst(%dma_wait3A_101 : memref<10240x128xf32, #tpu.memory_space<vmem_shared>>)
        tpu.yield
      }) : () -> ()
    }
    %scan3A_29 = arith.constant 20 : i32
    %mul3A_30 = arith.constant 80 : i32
    %mul3A_31 = arith.muli %add3A_12, %mul3A_30 : i32
    %add3A_32 = arith.constant 40 : i32
    %add3A_33 = arith.addi %mul3A_31, %add3A_32 : i32
    "tpu.region"() ({
      %run_scoped3A = tpu.sem_alloc : memref<!tpu.dma_semaphore, #tpu.memory_space<semaphore_mem>>
      %dma_start3A_58 = arith.constant 0 : i32
      %dma_start3A_59 = tpu.memref_slice %arg2[%add3A_33, %dma_start3A_58] : memref<2560x128xi32, #tpu.memory_space<hbm>> -> memref<40x128xi32, #tpu.memory_space<hbm>>
      %dma_start3A_60 = arith.constant 0 : i32
      %dma_start3A_61 = tpu.memref_slice %arg2[%add3A_33, %dma_start3A_60] : memref<2560x128xi32, #tpu.memory_space<hbm>> -> memref<40x128xi32, #tpu.memory_space<hbm>>
      tpu.enqueue_dma source(%dma_start3A_61 : memref<40x128xi32, #tpu.memory_space<hbm>>) target(%arg7 : memref<40x128xi32, #tpu.memory_space<vmem>>) target_semaphore(%run_scoped3A : memref<!tpu.dma_semaphore, #tpu.memory_space<semaphore_mem>>)
      %dma_wait3A = arith.constant 0 : i32
      %dma_wait3A_62 = tpu.memref_slice %arg2[%add3A_33, %dma_wait3A] : memref<2560x128xi32, #tpu.memory_space<hbm>> -> memref<40x128xi32, #tpu.memory_space<hbm>>
      %dma_wait3A_63 = arith.constant 0 : i32
      %dma_wait3A_64 = tpu.memref_slice %arg2[%add3A_33, %dma_wait3A_63] : memref<2560x128xi32, #tpu.memory_space<hbm>> -> memref<40x128xi32, #tpu.memory_space<hbm>>
      tpu.wait_dma2 semaphore(%run_scoped3A : memref<!tpu.dma_semaphore, #tpu.memory_space<semaphore_mem>>) src(%dma_wait3A_64 : memref<40x128xi32, #tpu.memory_space<hbm>>) dst(%arg7 : memref<40x128xi32, #tpu.memory_space<vmem>>)
      tpu.yield
    }) : () -> ()
    %dma_start3A_34 = arith.constant 0 : i32
    %dma_start3A_35 = arith.constant 0 : i32
    %dma_start3A_36 = tpu.memref_slice %arg7[%dma_start3A_34, %dma_start3A_35] : memref<40x128xi32, #tpu.memory_space<vmem>> -> memref<1x128xi32, #tpu.memory_space<vmem>>
    %dma_start3A_37 = tpu.memref_squeeze %dma_start3A_36 : memref<1x128xi32, #tpu.memory_space<vmem>> -> memref<128xi32, #tpu.memory_space<vmem>>
    %dma_start3A_38 = arith.constant 0 : i32
    %dma_start3A_39 = arith.constant 0 : i32
    %dma_start3A_40 = tpu.memref_slice %arg4[%dma_start3A_38, %dma_start3A_39] : memref<10240x128xf32, #tpu.memory_space<hbm>> -> memref<10240x128xf32, #tpu.memory_space<hbm>>
    tpu.enqueue_indirect_dma source(%dma_start3A_40 : memref<10240x128xf32, #tpu.memory_space<hbm>>) target(%arg9 : memref<128x128xf32, #tpu.memory_space<vmem>>) offsets(%dma_start3A_37 : memref<128xi32, #tpu.memory_space<vmem>>) semaphore(%arg12 : memref<!tpu.dma_semaphore, #tpu.memory_space<semaphore_mem>>)
    %scan3A_41 = arith.constant 0 : i32
    %scan3A_42 = arith.constant 0 : i32
    %scan3A_43 = arith.constant 20 : i32
    %scan3A_44 = arith.addi %scan3A_42, %scan3A_43 : i32
    %scan3A_45 = arith.constant 1 : i32
    scf.for %scan3A_58 = %scan3A_42 to %scan3A_44 step %scan3A_45  : i32 {
      %mul3A_59 = arith.constant 2 : i32
      %mul3A_60 = arith.muli %mul3A_59, %scan3A_58 : i32
      %add3A_61 = arith.constant 1 : i32
      %add3A_62 = arith.addi %mul3A_60, %add3A_61 : i32
      %dma_start3A_63 = arith.constant 0 : i32
      %dma_start3A_64 = tpu.memref_slice %arg7[%add3A_62, %dma_start3A_63] : memref<40x128xi32, #tpu.memory_space<vmem>> -> memref<1x128xi32, #tpu.memory_space<vmem>>
      %dma_start3A_65 = tpu.memref_squeeze %dma_start3A_64 : memref<1x128xi32, #tpu.memory_space<vmem>> -> memref<128xi32, #tpu.memory_space<vmem>>
      %dma_start3A_66 = arith.constant 0 : i32
      %dma_start3A_67 = arith.constant 0 : i32
      %dma_start3A_68 = tpu.memref_slice %arg4[%dma_start3A_66, %dma_start3A_67] : memref<10240x128xf32, #tpu.memory_space<hbm>> -> memref<10240x128xf32, #tpu.memory_space<hbm>>
      tpu.enqueue_indirect_dma source(%dma_start3A_68 : memref<10240x128xf32, #tpu.memory_space<hbm>>) target(%arg10 : memref<128x128xf32, #tpu.memory_space<vmem>>) offsets(%dma_start3A_65 : memref<128xi32, #tpu.memory_space<vmem>>) semaphore(%arg13 : memref<!tpu.dma_semaphore, #tpu.memory_space<semaphore_mem>>)
      %dma_wait3A = arith.constant 0 : i32
      %dma_wait3A_69 = tpu.memref_slice %arg7[%mul3A_60, %dma_wait3A] : memref<40x128xi32, #tpu.memory_space<vmem>> -> memref<1x128xi32, #tpu.memory_space<vmem>>
      %dma_wait3A_70 = tpu.memref_squeeze %dma_wait3A_69 : memref<1x128xi32, #tpu.memory_space<vmem>> -> memref<128xi32, #tpu.memory_space<vmem>>
      %dma_wait3A_71 = arith.constant 0 : i32
      %dma_wait3A_72 = arith.constant 0 : i32
      %dma_wait3A_73 = tpu.memref_slice %arg4[%dma_wait3A_71, %dma_wait3A_72] : memref<10240x128xf32, #tpu.memory_space<hbm>> -> memref<10240x128xf32, #tpu.memory_space<hbm>>
      tpu.wait_indirect_dma semaphore(%arg12 : memref<!tpu.dma_semaphore, #tpu.memory_space<semaphore_mem>>) src(%dma_wait3A_73 : memref<10240x128xf32, #tpu.memory_space<hbm>>) dst(%arg9 : memref<128x128xf32, #tpu.memory_space<vmem>>)
      %add3A_74 = arith.constant 40 : i32
      %add3A_75 = arith.addi %add3A_74, %mul3A_60 : i32
      "tpu.region"() ({
        %run_scoped3A = tpu.sem_alloc : memref<!tpu.dma_semaphore, #tpu.memory_space<semaphore_mem>>
        %dma_start3A_90 = arith.constant 0 : i32
        %dma_start3A_91 = tpu.memref_slice %arg8[%add3A_75, %dma_start3A_90] : memref<80x128xi32, #tpu.memory_space<vmem>> -> memref<1x128xi32, #tpu.memory_space<vmem>>
        %dma_start3A_92 = tpu.memref_squeeze %dma_start3A_91 : memref<1x128xi32, #tpu.memory_space<vmem>> -> memref<128xi32, #tpu.memory_space<vmem>>
        %dma_start3A_93 = arith.constant 0 : i32
        %dma_start3A_94 = arith.constant 0 : i32
        %dma_start3A_95 = tpu.memref_slice %arg11[%dma_start3A_93, %dma_start3A_94] : memref<10240x128xf32, #tpu.memory_space<vmem_shared>> -> memref<10240x128xf32, #tpu.memory_space<vmem_shared>>
        tpu.enqueue_indirect_dma source(%arg9 : memref<128x128xf32, #tpu.memory_space<vmem>>) target(%dma_start3A_95 : memref<10240x128xf32, #tpu.memory_space<vmem_shared>>) offsets(%dma_start3A_92 : memref<128xi32, #tpu.memory_space<vmem>>) semaphore(%run_scoped3A : memref<!tpu.dma_semaphore, #tpu.memory_space<semaphore_mem>>) {add = true}
        %dma_wait3A_96 = arith.constant 0 : i32
        %dma_wait3A_97 = tpu.memref_slice %arg8[%add3A_75, %dma_wait3A_96] : memref<80x128xi32, #tpu.memory_space<vmem>> -> memref<1x128xi32, #tpu.memory_space<vmem>>
        %dma_wait3A_98 = tpu.memref_squeeze %dma_wait3A_97 : memref<1x128xi32, #tpu.memory_space<vmem>> -> memref<128xi32, #tpu.memory_space<vmem>>
        %dma_wait3A_99 = arith.constant 0 : i32
        %dma_wait3A_100 = arith.constant 0 : i32
        %dma_wait3A_101 = tpu.memref_slice %arg11[%dma_wait3A_99, %dma_wait3A_100] : memref<10240x128xf32, #tpu.memory_space<vmem_shared>> -> memref<10240x128xf32, #tpu.memory_space<vmem_shared>>
        tpu.wait_indirect_dma semaphore(%run_scoped3A : memref<!tpu.dma_semaphore, #tpu.memory_space<semaphore_mem>>) src(%arg9 : memref<128x128xf32, #tpu.memory_space<vmem>>) dst(%dma_wait3A_101 : memref<10240x128xf32, #tpu.memory_space<vmem_shared>>)
        tpu.yield
      }) : () -> ()
      %lt3A = arith.constant 19 : i32
      %lt3A_76 = arith.cmpi slt, %scan3A_58, %lt3A : i32
      %convert_element_type3A = arith.extui %lt3A_76 : i1 to i32
      %cond3A = arith.constant 0 : i32
      %cond3A_77 = arith.cmpi ne, %convert_element_type3A, %cond3A : i32
      scf.if %cond3A_77 {
        %add3A_90 = arith.constant 2 : i32
        %add3A_91 = arith.addi %mul3A_60, %add3A_90 : i32
        %dma_start3A_92 = arith.constant 0 : i32
        %dma_start3A_93 = tpu.memref_slice %arg7[%add3A_91, %dma_start3A_92] : memref<40x128xi32, #tpu.memory_space<vmem>> -> memref<1x128xi32, #tpu.memory_space<vmem>>
        %dma_start3A_94 = tpu.memref_squeeze %dma_start3A_93 : memref<1x128xi32, #tpu.memory_space<vmem>> -> memref<128xi32, #tpu.memory_space<vmem>>
        %dma_start3A_95 = arith.constant 0 : i32
        %dma_start3A_96 = arith.constant 0 : i32
        %dma_start3A_97 = tpu.memref_slice %arg4[%dma_start3A_95, %dma_start3A_96] : memref<10240x128xf32, #tpu.memory_space<hbm>> -> memref<10240x128xf32, #tpu.memory_space<hbm>>
        tpu.enqueue_indirect_dma source(%dma_start3A_97 : memref<10240x128xf32, #tpu.memory_space<hbm>>) target(%arg9 : memref<128x128xf32, #tpu.memory_space<vmem>>) offsets(%dma_start3A_94 : memref<128xi32, #tpu.memory_space<vmem>>) semaphore(%arg12 : memref<!tpu.dma_semaphore, #tpu.memory_space<semaphore_mem>>)
      } else {
      }
      %add3A_78 = arith.constant 1 : i32
      %add3A_79 = arith.addi %mul3A_60, %add3A_78 : i32
      %dma_wait3A_80 = arith.constant 0 : i32
      %dma_wait3A_81 = tpu.memref_slice %arg7[%add3A_79, %dma_wait3A_80] : memref<40x128xi32, #tpu.memory_space<vmem>> -> memref<1x128xi32, #tpu.memory_space<vmem>>
      %dma_wait3A_82 = tpu.memref_squeeze %dma_wait3A_81 : memref<1x128xi32, #tpu.memory_space<vmem>> -> memref<128xi32, #tpu.memory_space<vmem>>
      %dma_wait3A_83 = arith.constant 0 : i32
      %dma_wait3A_84 = arith.constant 0 : i32
      %dma_wait3A_85 = tpu.memref_slice %arg4[%dma_wait3A_83, %dma_wait3A_84] : memref<10240x128xf32, #tpu.memory_space<hbm>> -> memref<10240x128xf32, #tpu.memory_space<hbm>>
      tpu.wait_indirect_dma semaphore(%arg13 : memref<!tpu.dma_semaphore, #tpu.memory_space<semaphore_mem>>) src(%dma_wait3A_85 : memref<10240x128xf32, #tpu.memory_space<hbm>>) dst(%arg10 : memref<128x128xf32, #tpu.memory_space<vmem>>)
      %add3A_86 = arith.constant 40 : i32
      %add3A_87 = arith.addi %add3A_86, %mul3A_60 : i32
      %add3A_88 = arith.constant 1 : i32
      %add3A_89 = arith.addi %add3A_87, %add3A_88 : i32
      "tpu.region"() ({
        %run_scoped3A = tpu.sem_alloc : memref<!tpu.dma_semaphore, #tpu.memory_space<semaphore_mem>>
        %dma_start3A_90 = arith.constant 0 : i32
        %dma_start3A_91 = tpu.memref_slice %arg8[%add3A_89, %dma_start3A_90] : memref<80x128xi32, #tpu.memory_space<vmem>> -> memref<1x128xi32, #tpu.memory_space<vmem>>
        %dma_start3A_92 = tpu.memref_squeeze %dma_start3A_91 : memref<1x128xi32, #tpu.memory_space<vmem>> -> memref<128xi32, #tpu.memory_space<vmem>>
        %dma_start3A_93 = arith.constant 0 : i32
        %dma_start3A_94 = arith.constant 0 : i32
        %dma_start3A_95 = tpu.memref_slice %arg11[%dma_start3A_93, %dma_start3A_94] : memref<10240x128xf32, #tpu.memory_space<vmem_shared>> -> memref<10240x128xf32, #tpu.memory_space<vmem_shared>>
        tpu.enqueue_indirect_dma source(%arg10 : memref<128x128xf32, #tpu.memory_space<vmem>>) target(%dma_start3A_95 : memref<10240x128xf32, #tpu.memory_space<vmem_shared>>) offsets(%dma_start3A_92 : memref<128xi32, #tpu.memory_space<vmem>>) semaphore(%run_scoped3A : memref<!tpu.dma_semaphore, #tpu.memory_space<semaphore_mem>>) {add = true}
        %dma_wait3A_96 = arith.constant 0 : i32
        %dma_wait3A_97 = tpu.memref_slice %arg8[%add3A_89, %dma_wait3A_96] : memref<80x128xi32, #tpu.memory_space<vmem>> -> memref<1x128xi32, #tpu.memory_space<vmem>>
        %dma_wait3A_98 = tpu.memref_squeeze %dma_wait3A_97 : memref<1x128xi32, #tpu.memory_space<vmem>> -> memref<128xi32, #tpu.memory_space<vmem>>
        %dma_wait3A_99 = arith.constant 0 : i32
        %dma_wait3A_100 = arith.constant 0 : i32
        %dma_wait3A_101 = tpu.memref_slice %arg11[%dma_wait3A_99, %dma_wait3A_100] : memref<10240x128xf32, #tpu.memory_space<vmem_shared>> -> memref<10240x128xf32, #tpu.memory_space<vmem_shared>>
        tpu.wait_indirect_dma semaphore(%run_scoped3A : memref<!tpu.dma_semaphore, #tpu.memory_space<semaphore_mem>>) src(%arg10 : memref<128x128xf32, #tpu.memory_space<vmem>>) dst(%dma_wait3A_101 : memref<10240x128xf32, #tpu.memory_space<vmem_shared>>)
        tpu.yield
      }) : () -> ()
    }
    %scan3A_46 = arith.constant 20 : i32
    %barrier3A_47 = arith.constant 0 : index
    tpu.barrier barrier_id(%barrier3A_47)
    %add3A_48 = arith.constant 0 : i32
    %add3A_49 = arith.addi %mul3A_0, %add3A_48 : i32
    "tpu.region"() ({
      %run_scoped3A = tpu.sem_alloc : memref<!tpu.dma_semaphore, #tpu.memory_space<semaphore_mem>>
      %dma_start3A_58 = arith.constant 0 : i32
      %dma_start3A_59 = tpu.memref_slice %arg11[%add3A_49, %dma_start3A_58] : memref<10240x128xf32, #tpu.memory_space<vmem_shared>> -> memref<128x128xf32, #tpu.memory_space<vmem_shared>>
      %dma_start3A_60 = arith.constant 0 : i32
      %dma_start3A_61 = tpu.memref_slice %arg11[%add3A_49, %dma_start3A_60] : memref<10240x128xf32, #tpu.memory_space<vmem_shared>> -> memref<128x128xf32, #tpu.memory_space<vmem_shared>>
      tpu.enqueue_dma source(%dma_start3A_61 : memref<128x128xf32, #tpu.memory_space<vmem_shared>>) target(%arg9 : memref<128x128xf32, #tpu.memory_space<vmem>>) target_semaphore(%run_scoped3A : memref<!tpu.dma_semaphore, #tpu.memory_space<semaphore_mem>>)
      %dma_wait3A = arith.constant 0 : i32
      %dma_wait3A_62 = tpu.memref_slice %arg11[%add3A_49, %dma_wait3A] : memref<10240x128xf32, #tpu.memory_space<vmem_shared>> -> memref<128x128xf32, #tpu.memory_space<vmem_shared>>
      %dma_wait3A_63 = arith.constant 0 : i32
      %dma_wait3A_64 = tpu.memref_slice %arg11[%add3A_49, %dma_wait3A_63] : memref<10240x128xf32, #tpu.memory_space<vmem_shared>> -> memref<128x128xf32, #tpu.memory_space<vmem_shared>>
      tpu.wait_dma2 semaphore(%run_scoped3A : memref<!tpu.dma_semaphore, #tpu.memory_space<semaphore_mem>>) src(%dma_wait3A_64 : memref<128x128xf32, #tpu.memory_space<vmem_shared>>) dst(%arg9 : memref<128x128xf32, #tpu.memory_space<vmem>>)
      tpu.yield
    }) : () -> ()
    "tpu.region"() ({
      %run_scoped3A = tpu.sem_alloc : memref<!tpu.dma_semaphore, #tpu.memory_space<semaphore_mem>>
      %dma_start3A_58 = arith.constant 0 : i32
      %dma_start3A_59 = tpu.memref_slice %arg6[%arg0, %add3A_49, %dma_start3A_58] : memref<2x10240x128xf32, #tpu.memory_space<hbm>> -> memref<1x128x128xf32, #tpu.memory_space<hbm>>
      %dma_start3A_60 = tpu.memref_squeeze %dma_start3A_59 : memref<1x128x128xf32, #tpu.memory_space<hbm>> -> memref<128x128xf32, #tpu.memory_space<hbm>>
      %dma_start3A_61 = arith.constant 0 : i32
      %dma_start3A_62 = tpu.memref_slice %arg6[%arg0, %add3A_49, %dma_start3A_61] : memref<2x10240x128xf32, #tpu.memory_space<hbm>> -> memref<1x128x128xf32, #tpu.memory_space<hbm>>
      %dma_start3A_63 = tpu.memref_squeeze %dma_start3A_62 : memref<1x128x128xf32, #tpu.memory_space<hbm>> -> memref<128x128xf32, #tpu.memory_space<hbm>>
      tpu.enqueue_dma source(%arg9 : memref<128x128xf32, #tpu.memory_space<vmem>>) target(%dma_start3A_63 : memref<128x128xf32, #tpu.memory_space<hbm>>) target_semaphore(%run_scoped3A : memref<!tpu.dma_semaphore, #tpu.memory_space<semaphore_mem>>)
      %dma_wait3A = arith.constant 0 : i32
      %dma_wait3A_64 = tpu.memref_slice %arg6[%arg0, %add3A_49, %dma_wait3A] : memref<2x10240x128xf32, #tpu.memory_space<hbm>> -> memref<1x128x128xf32, #tpu.memory_space<hbm>>
      %dma_wait3A_65 = tpu.memref_squeeze %dma_wait3A_64 : memref<1x128x128xf32, #tpu.memory_space<hbm>> -> memref<128x128xf32, #tpu.memory_space<hbm>>
      %dma_wait3A_66 = arith.constant 0 : i32
      %dma_wait3A_67 = tpu.memref_slice %arg6[%arg0, %add3A_49, %dma_wait3A_66] : memref<2x10240x128xf32, #tpu.memory_space<hbm>> -> memref<1x128x128xf32, #tpu.memory_space<hbm>>
      %dma_wait3A_68 = tpu.memref_squeeze %dma_wait3A_67 : memref<1x128x128xf32, #tpu.memory_space<hbm>> -> memref<128x128xf32, #tpu.memory_space<hbm>>
      tpu.wait_dma2 semaphore(%run_scoped3A : memref<!tpu.dma_semaphore, #tpu.memory_space<semaphore_mem>>) src(%arg9 : memref<128x128xf32, #tpu.memory_space<vmem>>) dst(%dma_wait3A_68 : memref<128x128xf32, #tpu.memory_space<hbm>>)
      tpu.yield
    }) : () -> ()
    %add3A_50 = arith.constant 128 : i32
    %add3A_51 = arith.addi %mul3A_0, %add3A_50 : i32
    "tpu.region"() ({
      %run_scoped3A = tpu.sem_alloc : memref<!tpu.dma_semaphore, #tpu.memory_space<semaphore_mem>>
      %dma_start3A_58 = arith.constant 0 : i32
      %dma_start3A_59 = tpu.memref_slice %arg11[%add3A_51, %dma_start3A_58] : memref<10240x128xf32, #tpu.memory_space<vmem_shared>> -> memref<128x128xf32, #tpu.memory_space<vmem_shared>>
      %dma_start3A_60 = arith.constant 0 : i32
      %dma_start3A_61 = tpu.memref_slice %arg11[%add3A_51, %dma_start3A_60] : memref<10240x128xf32, #tpu.memory_space<vmem_shared>> -> memref<128x128xf32, #tpu.memory_space<vmem_shared>>
      tpu.enqueue_dma source(%dma_start3A_61 : memref<128x128xf32, #tpu.memory_space<vmem_shared>>) target(%arg9 : memref<128x128xf32, #tpu.memory_space<vmem>>) target_semaphore(%run_scoped3A : memref<!tpu.dma_semaphore, #tpu.memory_space<semaphore_mem>>)
      %dma_wait3A = arith.constant 0 : i32
      %dma_wait3A_62 = tpu.memref_slice %arg11[%add3A_51, %dma_wait3A] : memref<10240x128xf32, #tpu.memory_space<vmem_shared>> -> memref<128x128xf32, #tpu.memory_space<vmem_shared>>
      %dma_wait3A_63 = arith.constant 0 : i32
      %dma_wait3A_64 = tpu.memref_slice %arg11[%add3A_51, %dma_wait3A_63] : memref<10240x128xf32, #tpu.memory_space<vmem_shared>> -> memref<128x128xf32, #tpu.memory_space<vmem_shared>>
      tpu.wait_dma2 semaphore(%run_scoped3A : memref<!tpu.dma_semaphore, #tpu.memory_space<semaphore_mem>>) src(%dma_wait3A_64 : memref<128x128xf32, #tpu.memory_space<vmem_shared>>) dst(%arg9 : memref<128x128xf32, #tpu.memory_space<vmem>>)
      tpu.yield
    }) : () -> ()
    "tpu.region"() ({
      %run_scoped3A = tpu.sem_alloc : memref<!tpu.dma_semaphore, #tpu.memory_space<semaphore_mem>>
      %dma_start3A_58 = arith.constant 0 : i32
      %dma_start3A_59 = tpu.memref_slice %arg6[%arg0, %add3A_51, %dma_start3A_58] : memref<2x10240x128xf32, #tpu.memory_space<hbm>> -> memref<1x128x128xf32, #tpu.memory_space<hbm>>
      %dma_start3A_60 = tpu.memref_squeeze %dma_start3A_59 : memref<1x128x128xf32, #tpu.memory_space<hbm>> -> memref<128x128xf32, #tpu.memory_space<hbm>>
      %dma_start3A_61 = arith.constant 0 : i32
      %dma_start3A_62 = tpu.memref_slice %arg6[%arg0, %add3A_51, %dma_start3A_61] : memref<2x10240x128xf32, #tpu.memory_space<hbm>> -> memref<1x128x128xf32, #tpu.memory_space<hbm>>
      %dma_start3A_63 = tpu.memref_squeeze %dma_start3A_62 : memref<1x128x128xf32, #tpu.memory_space<hbm>> -> memref<128x128xf32, #tpu.memory_space<hbm>>
      tpu.enqueue_dma source(%arg9 : memref<128x128xf32, #tpu.memory_space<vmem>>) target(%dma_start3A_63 : memref<128x128xf32, #tpu.memory_space<hbm>>) target_semaphore(%run_scoped3A : memref<!tpu.dma_semaphore, #tpu.memory_space<semaphore_mem>>)
      %dma_wait3A = arith.constant 0 : i32
      %dma_wait3A_64 = tpu.memref_slice %arg6[%arg0, %add3A_51, %dma_wait3A] : memref<2x10240x128xf32, #tpu.memory_space<hbm>> -> memref<1x128x128xf32, #tpu.memory_space<hbm>>
      %dma_wait3A_65 = tpu.memref_squeeze %dma_wait3A_64 : memref<1x128x128xf32, #tpu.memory_space<hbm>> -> memref<128x128xf32, #tpu.memory_space<hbm>>
      %dma_wait3A_66 = arith.constant 0 : i32
      %dma_wait3A_67 = tpu.memref_slice %arg6[%arg0, %add3A_51, %dma_wait3A_66] : memref<2x10240x128xf32, #tpu.memory_space<hbm>> -> memref<1x128x128xf32, #tpu.memory_space<hbm>>
      %dma_wait3A_68 = tpu.memref_squeeze %dma_wait3A_67 : memref<1x128x128xf32, #tpu.memory_space<hbm>> -> memref<128x128xf32, #tpu.memory_space<hbm>>
      tpu.wait_dma2 semaphore(%run_scoped3A : memref<!tpu.dma_semaphore, #tpu.memory_space<semaphore_mem>>) src(%arg9 : memref<128x128xf32, #tpu.memory_space<vmem>>) dst(%dma_wait3A_68 : memref<128x128xf32, #tpu.memory_space<hbm>>)
      tpu.yield
    }) : () -> ()
    %add3A_52 = arith.constant 256 : i32
    %add3A_53 = arith.addi %mul3A_0, %add3A_52 : i32
    "tpu.region"() ({
      %run_scoped3A = tpu.sem_alloc : memref<!tpu.dma_semaphore, #tpu.memory_space<semaphore_mem>>
      %dma_start3A_58 = arith.constant 0 : i32
      %dma_start3A_59 = tpu.memref_slice %arg11[%add3A_53, %dma_start3A_58] : memref<10240x128xf32, #tpu.memory_space<vmem_shared>> -> memref<128x128xf32, #tpu.memory_space<vmem_shared>>
      %dma_start3A_60 = arith.constant 0 : i32
      %dma_start3A_61 = tpu.memref_slice %arg11[%add3A_53, %dma_start3A_60] : memref<10240x128xf32, #tpu.memory_space<vmem_shared>> -> memref<128x128xf32, #tpu.memory_space<vmem_shared>>
      tpu.enqueue_dma source(%dma_start3A_61 : memref<128x128xf32, #tpu.memory_space<vmem_shared>>) target(%arg9 : memref<128x128xf32, #tpu.memory_space<vmem>>) target_semaphore(%run_scoped3A : memref<!tpu.dma_semaphore, #tpu.memory_space<semaphore_mem>>)
      %dma_wait3A = arith.constant 0 : i32
      %dma_wait3A_62 = tpu.memref_slice %arg11[%add3A_53, %dma_wait3A] : memref<10240x128xf32, #tpu.memory_space<vmem_shared>> -> memref<128x128xf32, #tpu.memory_space<vmem_shared>>
      %dma_wait3A_63 = arith.constant 0 : i32
      %dma_wait3A_64 = tpu.memref_slice %arg11[%add3A_53, %dma_wait3A_63] : memref<10240x128xf32, #tpu.memory_space<vmem_shared>> -> memref<128x128xf32, #tpu.memory_space<vmem_shared>>
      tpu.wait_dma2 semaphore(%run_scoped3A : memref<!tpu.dma_semaphore, #tpu.memory_space<semaphore_mem>>) src(%dma_wait3A_64 : memref<128x128xf32, #tpu.memory_space<vmem_shared>>) dst(%arg9 : memref<128x128xf32, #tpu.memory_space<vmem>>)
      tpu.yield
    }) : () -> ()
    "tpu.region"() ({
      %run_scoped3A = tpu.sem_alloc : memref<!tpu.dma_semaphore, #tpu.memory_space<semaphore_mem>>
      %dma_start3A_58 = arith.constant 0 : i32
      %dma_start3A_59 = tpu.memref_slice %arg6[%arg0, %add3A_53, %dma_start3A_58] : memref<2x10240x128xf32, #tpu.memory_space<hbm>> -> memref<1x128x128xf32, #tpu.memory_space<hbm>>
      %dma_start3A_60 = tpu.memref_squeeze %dma_start3A_59 : memref<1x128x128xf32, #tpu.memory_space<hbm>> -> memref<128x128xf32, #tpu.memory_space<hbm>>
      %dma_start3A_61 = arith.constant 0 : i32
      %dma_start3A_62 = tpu.memref_slice %arg6[%arg0, %add3A_53, %dma_start3A_61] : memref<2x10240x128xf32, #tpu.memory_space<hbm>> -> memref<1x128x128xf32, #tpu.memory_space<hbm>>
      %dma_start3A_63 = tpu.memref_squeeze %dma_start3A_62 : memref<1x128x128xf32, #tpu.memory_space<hbm>> -> memref<128x128xf32, #tpu.memory_space<hbm>>
      tpu.enqueue_dma source(%arg9 : memref<128x128xf32, #tpu.memory_space<vmem>>) target(%dma_start3A_63 : memref<128x128xf32, #tpu.memory_space<hbm>>) target_semaphore(%run_scoped3A : memref<!tpu.dma_semaphore, #tpu.memory_space<semaphore_mem>>)
      %dma_wait3A = arith.constant 0 : i32
      %dma_wait3A_64 = tpu.memref_slice %arg6[%arg0, %add3A_53, %dma_wait3A] : memref<2x10240x128xf32, #tpu.memory_space<hbm>> -> memref<1x128x128xf32, #tpu.memory_space<hbm>>
      %dma_wait3A_65 = tpu.memref_squeeze %dma_wait3A_64 : memref<1x128x128xf32, #tpu.memory_space<hbm>> -> memref<128x128xf32, #tpu.memory_space<hbm>>
      %dma_wait3A_66 = arith.constant 0 : i32
      %dma_wait3A_67 = tpu.memref_slice %arg6[%arg0, %add3A_53, %dma_wait3A_66] : memref<2x10240x128xf32, #tpu.memory_space<hbm>> -> memref<1x128x128xf32, #tpu.memory_space<hbm>>
      %dma_wait3A_68 = tpu.memref_squeeze %dma_wait3A_67 : memref<1x128x128xf32, #tpu.memory_space<hbm>> -> memref<128x128xf32, #tpu.memory_space<hbm>>
      tpu.wait_dma2 semaphore(%run_scoped3A : memref<!tpu.dma_semaphore, #tpu.memory_space<semaphore_mem>>) src(%arg9 : memref<128x128xf32, #tpu.memory_space<vmem>>) dst(%dma_wait3A_68 : memref<128x128xf32, #tpu.memory_space<hbm>>)
      tpu.yield
    }) : () -> ()
    %add3A_54 = arith.constant 384 : i32
    %add3A_55 = arith.addi %mul3A_0, %add3A_54 : i32
    "tpu.region"() ({
      %run_scoped3A = tpu.sem_alloc : memref<!tpu.dma_semaphore, #tpu.memory_space<semaphore_mem>>
      %dma_start3A_58 = arith.constant 0 : i32
      %dma_start3A_59 = tpu.memref_slice %arg11[%add3A_55, %dma_start3A_58] : memref<10240x128xf32, #tpu.memory_space<vmem_shared>> -> memref<128x128xf32, #tpu.memory_space<vmem_shared>>
      %dma_start3A_60 = arith.constant 0 : i32
      %dma_start3A_61 = tpu.memref_slice %arg11[%add3A_55, %dma_start3A_60] : memref<10240x128xf32, #tpu.memory_space<vmem_shared>> -> memref<128x128xf32, #tpu.memory_space<vmem_shared>>
      tpu.enqueue_dma source(%dma_start3A_61 : memref<128x128xf32, #tpu.memory_space<vmem_shared>>) target(%arg9 : memref<128x128xf32, #tpu.memory_space<vmem>>) target_semaphore(%run_scoped3A : memref<!tpu.dma_semaphore, #tpu.memory_space<semaphore_mem>>)
      %dma_wait3A = arith.constant 0 : i32
      %dma_wait3A_62 = tpu.memref_slice %arg11[%add3A_55, %dma_wait3A] : memref<10240x128xf32, #tpu.memory_space<vmem_shared>> -> memref<128x128xf32, #tpu.memory_space<vmem_shared>>
      %dma_wait3A_63 = arith.constant 0 : i32
      %dma_wait3A_64 = tpu.memref_slice %arg11[%add3A_55, %dma_wait3A_63] : memref<10240x128xf32, #tpu.memory_space<vmem_shared>> -> memref<128x128xf32, #tpu.memory_space<vmem_shared>>
      tpu.wait_dma2 semaphore(%run_scoped3A : memref<!tpu.dma_semaphore, #tpu.memory_space<semaphore_mem>>) src(%dma_wait3A_64 : memref<128x128xf32, #tpu.memory_space<vmem_shared>>) dst(%arg9 : memref<128x128xf32, #tpu.memory_space<vmem>>)
      tpu.yield
    }) : () -> ()
    "tpu.region"() ({
      %run_scoped3A = tpu.sem_alloc : memref<!tpu.dma_semaphore, #tpu.memory_space<semaphore_mem>>
      %dma_start3A_58 = arith.constant 0 : i32
      %dma_start3A_59 = tpu.memref_slice %arg6[%arg0, %add3A_55, %dma_start3A_58] : memref<2x10240x128xf32, #tpu.memory_space<hbm>> -> memref<1x128x128xf32, #tpu.memory_space<hbm>>
      %dma_start3A_60 = tpu.memref_squeeze %dma_start3A_59 : memref<1x128x128xf32, #tpu.memory_space<hbm>> -> memref<128x128xf32, #tpu.memory_space<hbm>>
      %dma_start3A_61 = arith.constant 0 : i32
      %dma_start3A_62 = tpu.memref_slice %arg6[%arg0, %add3A_55, %dma_start3A_61] : memref<2x10240x128xf32, #tpu.memory_space<hbm>> -> memref<1x128x128xf32, #tpu.memory_space<hbm>>
      %dma_start3A_63 = tpu.memref_squeeze %dma_start3A_62 : memref<1x128x128xf32, #tpu.memory_space<hbm>> -> memref<128x128xf32, #tpu.memory_space<hbm>>
      tpu.enqueue_dma source(%arg9 : memref<128x128xf32, #tpu.memory_space<vmem>>) target(%dma_start3A_63 : memref<128x128xf32, #tpu.memory_space<hbm>>) target_semaphore(%run_scoped3A : memref<!tpu.dma_semaphore, #tpu.memory_space<semaphore_mem>>)
      %dma_wait3A = arith.constant 0 : i32
      %dma_wait3A_64 = tpu.memref_slice %arg6[%arg0, %add3A_55, %dma_wait3A] : memref<2x10240x128xf32, #tpu.memory_space<hbm>> -> memref<1x128x128xf32, #tpu.memory_space<hbm>>
      %dma_wait3A_65 = tpu.memref_squeeze %dma_wait3A_64 : memref<1x128x128xf32, #tpu.memory_space<hbm>> -> memref<128x128xf32, #tpu.memory_space<hbm>>
      %dma_wait3A_66 = arith.constant 0 : i32
      %dma_wait3A_67 = tpu.memref_slice %arg6[%arg0, %add3A_55, %dma_wait3A_66] : memref<2x10240x128xf32, #tpu.memory_space<hbm>> -> memref<1x128x128xf32, #tpu.memory_space<hbm>>
      %dma_wait3A_68 = tpu.memref_squeeze %dma_wait3A_67 : memref<1x128x128xf32, #tpu.memory_space<hbm>> -> memref<128x128xf32, #tpu.memory_space<hbm>>
      tpu.wait_dma2 semaphore(%run_scoped3A : memref<!tpu.dma_semaphore, #tpu.memory_space<semaphore_mem>>) src(%arg9 : memref<128x128xf32, #tpu.memory_space<vmem>>) dst(%dma_wait3A_68 : memref<128x128xf32, #tpu.memory_space<hbm>>)
      tpu.yield
    }) : () -> ()
    %add3A_56 = arith.constant 512 : i32
    %add3A_57 = arith.addi %mul3A_0, %add3A_56 : i32
    "tpu.region"() ({
      %run_scoped3A = tpu.sem_alloc : memref<!tpu.dma_semaphore, #tpu.memory_space<semaphore_mem>>
      %dma_start3A_58 = arith.constant 0 : i32
      %dma_start3A_59 = tpu.memref_slice %arg11[%add3A_57, %dma_start3A_58] : memref<10240x128xf32, #tpu.memory_space<vmem_shared>> -> memref<128x128xf32, #tpu.memory_space<vmem_shared>>
      %dma_start3A_60 = arith.constant 0 : i32
      %dma_start3A_61 = tpu.memref_slice %arg11[%add3A_57, %dma_start3A_60] : memref<10240x128xf32, #tpu.memory_space<vmem_shared>> -> memref<128x128xf32, #tpu.memory_space<vmem_shared>>
      tpu.enqueue_dma source(%dma_start3A_61 : memref<128x128xf32, #tpu.memory_space<vmem_shared>>) target(%arg9 : memref<128x128xf32, #tpu.memory_space<vmem>>) target_semaphore(%run_scoped3A : memref<!tpu.dma_semaphore, #tpu.memory_space<semaphore_mem>>)
      %dma_wait3A = arith.constant 0 : i32
      %dma_wait3A_62 = tpu.memref_slice %arg11[%add3A_57, %dma_wait3A] : memref<10240x128xf32, #tpu.memory_space<vmem_shared>> -> memref<128x128xf32, #tpu.memory_space<vmem_shared>>
      %dma_wait3A_63 = arith.constant 0 : i32
      %dma_wait3A_64 = tpu.memref_slice %arg11[%add3A_57, %dma_wait3A_63] : memref<10240x128xf32, #tpu.memory_space<vmem_shared>> -> memref<128x128xf32, #tpu.memory_space<vmem_shared>>
      tpu.wait_dma2 semaphore(%run_scoped3A : memref<!tpu.dma_semaphore, #tpu.memory_space<semaphore_mem>>) src(%dma_wait3A_64 : memref<128x128xf32, #tpu.memory_space<vmem_shared>>) dst(%arg9 : memref<128x128xf32, #tpu.memory_space<vmem>>)
      tpu.yield
    }) : () -> ()
    "tpu.region"() ({
      %run_scoped3A = tpu.sem_alloc : memref<!tpu.dma_semaphore, #tpu.memory_space<semaphore_mem>>
      %dma_start3A_58 = arith.constant 0 : i32
      %dma_start3A_59 = tpu.memref_slice %arg6[%arg0, %add3A_57, %dma_start3A_58] : memref<2x10240x128xf32, #tpu.memory_space<hbm>> -> memref<1x128x128xf32, #tpu.memory_space<hbm>>
      %dma_start3A_60 = tpu.memref_squeeze %dma_start3A_59 : memref<1x128x128xf32, #tpu.memory_space<hbm>> -> memref<128x128xf32, #tpu.memory_space<hbm>>
      %dma_start3A_61 = arith.constant 0 : i32
      %dma_start3A_62 = tpu.memref_slice %arg6[%arg0, %add3A_57, %dma_start3A_61] : memref<2x10240x128xf32, #tpu.memory_space<hbm>> -> memref<1x128x128xf32, #tpu.memory_space<hbm>>
      %dma_start3A_63 = tpu.memref_squeeze %dma_start3A_62 : memref<1x128x128xf32, #tpu.memory_space<hbm>> -> memref<128x128xf32, #tpu.memory_space<hbm>>
      tpu.enqueue_dma source(%arg9 : memref<128x128xf32, #tpu.memory_space<vmem>>) target(%dma_start3A_63 : memref<128x128xf32, #tpu.memory_space<hbm>>) target_semaphore(%run_scoped3A : memref<!tpu.dma_semaphore, #tpu.memory_space<semaphore_mem>>)
      %dma_wait3A = arith.constant 0 : i32
      %dma_wait3A_64 = tpu.memref_slice %arg6[%arg0, %add3A_57, %dma_wait3A] : memref<2x10240x128xf32, #tpu.memory_space<hbm>> -> memref<1x128x128xf32, #tpu.memory_space<hbm>>
      %dma_wait3A_65 = tpu.memref_squeeze %dma_wait3A_64 : memref<1x128x128xf32, #tpu.memory_space<hbm>> -> memref<128x128xf32, #tpu.memory_space<hbm>>
      %dma_wait3A_66 = arith.constant 0 : i32
      %dma_wait3A_67 = tpu.memref_slice %arg6[%arg0, %add3A_57, %dma_wait3A_66] : memref<2x10240x128xf32, #tpu.memory_space<hbm>> -> memref<1x128x128xf32, #tpu.memory_space<hbm>>
      %dma_wait3A_68 = tpu.memref_squeeze %dma_wait3A_67 : memref<1x128x128xf32, #tpu.memory_space<hbm>> -> memref<128x128xf32, #tpu.memory_space<hbm>>
      tpu.wait_dma2 semaphore(%run_scoped3A : memref<!tpu.dma_semaphore, #tpu.memory_space<semaphore_mem>>) src(%arg9 : memref<128x128xf32, #tpu.memory_space<vmem>>) dst(%dma_wait3A_68 : memref<128x128xf32, #tpu.memory_space<hbm>>)
      tpu.yield
    }) : () -> ()
    return
  }
}

module attributes {stable_mosaic.version = 14 : i64} {
  func.func @_t1_body(%arg0: i32, %arg1: memref<256x128xf32, #tpu.memory_space<vmem>>, %arg2: memref<128x128xf32, #tpu.memory_space<vmem>>, %arg3: memref<32x256xf32, #tpu.memory_space<vmem>>, %arg4: memref<256x128xf32, #tpu.memory_space<vmem>>, %arg5: memref<256xf32, #tpu.memory_space<vmem>>) attributes {dimension_semantics = [#tpu.dimension_semantics<arbitrary>], iteration_bounds = array<i64: 40>, scalar_prefetch = 0 : i64, scratch_operands = 0 : i64, tpu.core_type = #tpu.core_type<tc>, window_params = [{transform_indices = @transform_0, window_bounds = array<i64: 256, 128>}, {pipeline_mode = #tpu.pipeline_mode<synchronous>, transform_indices = @transform_1, window_bounds = array<i64: 128, 128>}, {transform_indices = @transform_2, window_bounds = array<i64: 32, 256>}, {transform_indices = @transform_3, window_bounds = array<i64: 256, 128>}, {transform_indices = @transform_4, window_bounds = array<i64: 256>}]} {
    %get3A = arith.constant 0 : index
    %get3A_0 = arith.constant 0 : index
    %get3A_1 = vector.load %arg3[%get3A, %get3A_0] : memref<32x256xf32, #tpu.memory_space<vmem>>, vector<32x256xf32>
    %reduce_sum3A = arith.constant dense<0.000000e+00> : vector<256xf32>
    %reduce_sum3A_2 = vector.multi_reduction <add>, %get3A_1, %reduce_sum3A [0] : vector<32x256xf32> to vector<256xf32>
    %add3A = arith.constant 1.000000e+00 : f32
    %add3A_3 = vector.broadcast %add3A : f32 to vector<256xf32>
    %add3A_4 = arith.addf %reduce_sum3A_2, %add3A_3 : vector<256xf32>
    %rsqrt3A = math.rsqrt %add3A_4 : vector<256xf32>
    %get3A_5 = arith.constant 0 : index
    %get3A_6 = arith.constant 0 : index
    %get3A_7 = vector.load %arg1[%get3A_5, %get3A_6] : memref<256x128xf32, #tpu.memory_space<vmem>>, vector<256x128xf32>
    %get3A_8 = arith.constant 0 : index
    %get3A_9 = arith.constant 0 : index
    %get3A_10 = vector.load %arg2[%get3A_8, %get3A_9] : memref<128x128xf32, #tpu.memory_space<vmem>>, vector<128x128xf32>
    %dot_general3A = arith.constant dense<0.000000e+00> : vector<256x128xf32>
    %dot_general3A_11 = tpu.matmul %get3A_7, %get3A_10, %dot_general3A {dimension_numbers = #tpu.dot_dimension_numbers<[1], [1], [0], [0], [0, 0, 1, 0], [], []>, transpose_lhs_hint = false} : vector<256x128xf32>, vector<128x128xf32>, vector<256x128xf32> -> vector<256x128xf32>
    %broadcast_in_dim3A = vector.shape_cast %rsqrt3A : vector<256xf32> to vector<256x1xf32>
    %mul3A = vector.broadcast %broadcast_in_dim3A : vector<256x1xf32> to vector<256x128xf32>
    %mul3A_12 = arith.mulf %dot_general3A_11, %mul3A : vector<256x128xf32>
    %swap3A = arith.constant 0 : index
    %swap3A_13 = arith.constant 0 : index
    %swap3A_14 = vector.load %arg4[%swap3A, %swap3A_13] : memref<256x128xf32, #tpu.memory_space<vmem>>, vector<256x128xf32>
    tpu.vector_store %arg4[%swap3A, %swap3A_13], %mul3A_12 {strides = array<i32>} : memref<256x128xf32, #tpu.memory_space<vmem>>, vector<256x128xf32>,
    %swap3A_15 = arith.constant 0 : index
    %swap3A_16 = vector.load %arg5[%swap3A_15] : memref<256xf32, #tpu.memory_space<vmem>>, vector<256xf32>
    tpu.vector_store %arg5[%swap3A_15], %rsqrt3A {strides = array<i32>} : memref<256xf32, #tpu.memory_space<vmem>>, vector<256xf32>,
    return
  }
  func.func @transform_0(%arg0: i32) -> (i32, i32) {
    %c0_i32 = arith.constant 0 : i32
    %c0_i32_0 = arith.constant 0 : i32
    return %arg0, %c0_i32 : i32, i32
  }
  func.func @transform_1(%arg0: i32) -> (i32, i32) {
    %c0_i32 = arith.constant 0 : i32
    %c0_i32_0 = arith.constant 0 : i32
    %c0_i32_1 = arith.constant 0 : i32
    return %c0_i32, %c0_i32_0 : i32, i32
  }
  func.func @transform_2(%arg0: i32) -> (i32, i32) {
    %c0_i32 = arith.constant 0 : i32
    %c0_i32_0 = arith.constant 0 : i32
    return %c0_i32, %arg0 : i32, i32
  }
  func.func @transform_3(%arg0: i32) -> (i32, i32) {
    %c0_i32 = arith.constant 0 : i32
    %c0_i32_0 = arith.constant 0 : i32
    return %arg0, %c0_i32 : i32, i32
  }
  func.func @transform_4(%arg0: i32) -> i32 {
    %c0_i32 = arith.constant 0 : i32
    return %arg0 : i32
  }
}

module attributes {stable_mosaic.version = 14 : i64} {
  func.func @_t2_body(%arg0: i32, %arg1: memref<256x128xf32, #tpu.memory_space<vmem>>, %arg2: memref<256x128xf32, #tpu.memory_space<vmem>>, %arg3: memref<256x128xf32, #tpu.memory_space<vmem>>, %arg4: memref<256xf32, #tpu.memory_space<vmem>>, %arg5: memref<128xf32, #tpu.memory_space<vmem>>, %arg6: memref<64x128xf32, #tpu.memory_space<vmem>>, %arg7: memref<256x64xf32, #tpu.memory_space<vmem>>) attributes {dimension_semantics = [#tpu.dimension_semantics<arbitrary>], iteration_bounds = array<i64: 40>, scalar_prefetch = 0 : i64, scratch_operands = 0 : i64, tpu.core_type = #tpu.core_type<tc>, window_params = [{transform_indices = @transform_0, window_bounds = array<i64: 256, 128>}, {transform_indices = @transform_1, window_bounds = array<i64: 256, 128>}, {transform_indices = @transform_2, window_bounds = array<i64: 256, 128>}, {transform_indices = @transform_3, window_bounds = array<i64: 256>}, {pipeline_mode = #tpu.pipeline_mode<synchronous>, transform_indices = @transform_4, window_bounds = array<i64: 128>}, {pipeline_mode = #tpu.pipeline_mode<synchronous>, transform_indices = @transform_5, window_bounds = array<i64: 64, 128>}, {transform_indices = @transform_6, window_bounds = array<i64: 256, 64>}]} {
    %get3A = arith.constant 0 : index
    %get3A_0 = vector.load %arg4[%get3A] : memref<256xf32, #tpu.memory_space<vmem>>, vector<256xf32>
    %get3A_1 = arith.constant 0 : index
    %get3A_2 = arith.constant 0 : index
    %get3A_3 = vector.load %arg1[%get3A_1, %get3A_2] : memref<256x128xf32, #tpu.memory_space<vmem>>, vector<256x128xf32>
    %get3A_4 = arith.constant 0 : index
    %get3A_5 = arith.constant 0 : index
    %get3A_6 = vector.load %arg2[%get3A_4, %get3A_5] : memref<256x128xf32, #tpu.memory_space<vmem>>, vector<256x128xf32>
    %add3A = arith.addf %get3A_3, %get3A_6 : vector<256x128xf32>
    %get3A_7 = arith.constant 0 : index
    %get3A_8 = arith.constant 0 : index
    %get3A_9 = vector.load %arg3[%get3A_7, %get3A_8] : memref<256x128xf32, #tpu.memory_space<vmem>>, vector<256x128xf32>
    %add3A_10 = arith.addf %add3A, %get3A_9 : vector<256x128xf32>
    %broadcast_in_dim3A = vector.shape_cast %get3A_0 : vector<256xf32> to vector<256x1xf32>
    %mul3A = vector.broadcast %broadcast_in_dim3A : vector<256x1xf32> to vector<256x128xf32>
    %mul3A_11 = arith.mulf %add3A_10, %mul3A : vector<256x128xf32>
    %get3A_12 = arith.constant 0 : index
    %get3A_13 = vector.load %arg5[%get3A_12] : memref<128xf32, #tpu.memory_space<vmem>>, vector<128xf32>
    %broadcast_in_dim3A_14 = vector.shape_cast %get3A_13 : vector<128xf32> to vector<1x128xf32>
    %add3A_15 = vector.broadcast %broadcast_in_dim3A_14 : vector<1x128xf32> to vector<256x128xf32>
    %add3A_16 = arith.addf %mul3A_11, %add3A_15 : vector<256x128xf32>
    %max3A = arith.constant 0.000000e+00 : f32
    %max3A_17 = vector.broadcast %max3A : f32 to vector<256x128xf32>
    %max3A_18 = arith.maximumf %add3A_16, %max3A_17 : vector<256x128xf32>
    %get3A_19 = arith.constant 0 : index
    %get3A_20 = arith.constant 0 : index
    %get3A_21 = vector.load %arg6[%get3A_19, %get3A_20] : memref<64x128xf32, #tpu.memory_space<vmem>>, vector<64x128xf32>
    %dot_general3A = arith.constant dense<0.000000e+00> : vector<256x64xf32>
    %dot_general3A_22 = tpu.matmul %max3A_18, %get3A_21, %dot_general3A {dimension_numbers = #tpu.dot_dimension_numbers<[1], [1], [0], [0], [0, 0, 1, 0], [], []>, transpose_lhs_hint = false} : vector<256x128xf32>, vector<64x128xf32>, vector<256x64xf32> -> vector<256x64xf32>
    %broadcast_in_dim3A_23 = vector.shape_cast %get3A_0 : vector<256xf32> to vector<256x1xf32>
    %mul3A_24 = vector.broadcast %broadcast_in_dim3A_23 : vector<256x1xf32> to vector<256x64xf32>
    %mul3A_25 = arith.mulf %dot_general3A_22, %mul3A_24 : vector<256x64xf32>
    %swap3A = arith.constant 0 : index
    %swap3A_26 = arith.constant 0 : index
    %swap3A_27 = vector.load %arg7[%swap3A, %swap3A_26] : memref<256x64xf32, #tpu.memory_space<vmem>>, vector<256x64xf32>
    tpu.vector_store %arg7[%swap3A, %swap3A_26], %mul3A_25 {strides = array<i32>} : memref<256x64xf32, #tpu.memory_space<vmem>>, vector<256x64xf32>,
    return
  }
  func.func @transform_0(%arg0: i32) -> (i32, i32) {
    %c0_i32 = arith.constant 0 : i32
    %c0_i32_0 = arith.constant 0 : i32
    return %arg0, %c0_i32 : i32, i32
  }
  func.func @transform_1(%arg0: i32) -> (i32, i32) {
    %c0_i32 = arith.constant 0 : i32
    %c0_i32_0 = arith.constant 0 : i32
    return %arg0, %c0_i32 : i32, i32
  }
  func.func @transform_2(%arg0: i32) -> (i32, i32) {
    %c0_i32 = arith.constant 0 : i32
    %c0_i32_0 = arith.constant 0 : i32
    return %arg0, %c0_i32 : i32, i32
  }
  func.func @transform_3(%arg0: i32) -> i32 {
    %c0_i32 = arith.constant 0 : i32
    return %arg0 : i32
  }
  func.func @transform_4(%arg0: i32) -> i32 {
    %c0_i32 = arith.constant 0 : i32
    %c0_i32_0 = arith.constant 0 : i32
    return %c0_i32 : i32
  }
  func.func @transform_5(%arg0: i32) -> (i32, i32) {
    %c0_i32 = arith.constant 0 : i32
    %c0_i32_0 = arith.constant 0 : i32
    %c0_i32_1 = arith.constant 0 : i32
    return %c0_i32, %c0_i32_0 : i32, i32
  }
  func.func @transform_6(%arg0: i32) -> (i32, i32) {
    %c0_i32 = arith.constant 0 : i32
    %c0_i32_0 = arith.constant 0 : i32
    return %arg0, %c0_i32 : i32, i32
  }
}

module attributes {stable_mosaic.version = 14 : i64} {
  func.func @_t3_body(%arg0: i32, %arg1: memref<256x64xf32, #tpu.memory_space<vmem>>, %arg2: memref<256x64xf32, #tpu.memory_space<vmem>>, %arg3: memref<256x64xf32, #tpu.memory_space<vmem>>, %arg4: memref<256xf32, #tpu.memory_space<vmem>>, %arg5: memref<64xf32, #tpu.memory_space<vmem>>, %arg6: memref<64xf32, #tpu.memory_space<vmem>>, %arg7: memref<1xf32, #tpu.memory_space<vmem>>, %arg8: memref<256xf32, #tpu.memory_space<vmem>>) attributes {dimension_semantics = [#tpu.dimension_semantics<arbitrary>], iteration_bounds = array<i64: 40>, scalar_prefetch = 0 : i64, scratch_operands = 0 : i64, tpu.core_type = #tpu.core_type<tc>, window_params = [{transform_indices = @transform_0, window_bounds = array<i64: 256, 64>}, {transform_indices = @transform_1, window_bounds = array<i64: 256, 64>}, {transform_indices = @transform_2, window_bounds = array<i64: 256, 64>}, {transform_indices = @transform_3, window_bounds = array<i64: 256>}, {pipeline_mode = #tpu.pipeline_mode<synchronous>, transform_indices = @transform_4, window_bounds = array<i64: 64>}, {pipeline_mode = #tpu.pipeline_mode<synchronous>, transform_indices = @transform_5, window_bounds = array<i64: 64>}, {pipeline_mode = #tpu.pipeline_mode<synchronous>, transform_indices = @transform_6, window_bounds = array<i64: 1>}, {transform_indices = @transform_7, window_bounds = array<i64: 256>}]} {
    %get3A = arith.constant 0 : index
    %get3A_0 = vector.load %arg4[%get3A] : memref<256xf32, #tpu.memory_space<vmem>>, vector<256xf32>
    %get3A_1 = arith.constant 0 : index
    %get3A_2 = arith.constant 0 : index
    %get3A_3 = vector.load %arg1[%get3A_1, %get3A_2] : memref<256x64xf32, #tpu.memory_space<vmem>>, vector<256x64xf32>
    %get3A_4 = arith.constant 0 : index
    %get3A_5 = arith.constant 0 : index
    %get3A_6 = vector.load %arg2[%get3A_4, %get3A_5] : memref<256x64xf32, #tpu.memory_space<vmem>>, vector<256x64xf32>
    %add3A = arith.addf %get3A_3, %get3A_6 : vector<256x64xf32>
    %get3A_7 = arith.constant 0 : index
    %get3A_8 = arith.constant 0 : index
    %get3A_9 = vector.load %arg3[%get3A_7, %get3A_8] : memref<256x64xf32, #tpu.memory_space<vmem>>, vector<256x64xf32>
    %add3A_10 = arith.addf %add3A, %get3A_9 : vector<256x64xf32>
    %broadcast_in_dim3A = vector.shape_cast %get3A_0 : vector<256xf32> to vector<256x1xf32>
    %mul3A = vector.broadcast %broadcast_in_dim3A : vector<256x1xf32> to vector<256x64xf32>
    %mul3A_11 = arith.mulf %add3A_10, %mul3A : vector<256x64xf32>
    %get3A_12 = arith.constant 0 : index
    %get3A_13 = vector.load %arg5[%get3A_12] : memref<64xf32, #tpu.memory_space<vmem>>, vector<64xf32>
    %broadcast_in_dim3A_14 = vector.shape_cast %get3A_13 : vector<64xf32> to vector<1x64xf32>
    %add3A_15 = vector.broadcast %broadcast_in_dim3A_14 : vector<1x64xf32> to vector<256x64xf32>
    %add3A_16 = arith.addf %mul3A_11, %add3A_15 : vector<256x64xf32>
    %max3A = arith.constant 0.000000e+00 : f32
    %max3A_17 = vector.broadcast %max3A : f32 to vector<256x64xf32>
    %max3A_18 = arith.maximumf %add3A_16, %max3A_17 : vector<256x64xf32>
    %get3A_19 = arith.constant 0 : index
    %get3A_20 = vector.load %arg6[%get3A_19] : memref<64xf32, #tpu.memory_space<vmem>>, vector<64xf32>
    %broadcast_in_dim3A_21 = vector.shape_cast %get3A_20 : vector<64xf32> to vector<1x64xf32>
    %mul3A_22 = vector.broadcast %broadcast_in_dim3A_21 : vector<1x64xf32> to vector<256x64xf32>
    %mul3A_23 = arith.mulf %max3A_18, %mul3A_22 : vector<256x64xf32>
    %reduce_sum3A = arith.constant dense<0.000000e+00> : vector<256xf32>
    %reduce_sum3A_24 = vector.multi_reduction <add>, %mul3A_23, %reduce_sum3A [1] : vector<256x64xf32> to vector<256xf32>
    %get3A_25 = arith.constant 0 : index
    %get3A_26 = vector.load %arg7[%get3A_25] : memref<1xf32, #tpu.memory_space<vmem>>, vector<1xf32>
    %get3A_27 = vector.extract %get3A_26[0] : f32 from vector<1xf32>
    %add3A_28 = vector.broadcast %get3A_27 : f32 to vector<256xf32>
    %add3A_29 = arith.addf %reduce_sum3A_24, %add3A_28 : vector<256xf32>
    %swap3A = arith.constant 0 : index
    %swap3A_30 = vector.load %arg8[%swap3A] : memref<256xf32, #tpu.memory_space<vmem>>, vector<256xf32>
    tpu.vector_store %arg8[%swap3A], %add3A_29 {strides = array<i32>} : memref<256xf32, #tpu.memory_space<vmem>>, vector<256xf32>,
    return
  }
  func.func @transform_0(%arg0: i32) -> (i32, i32) {
    %c0_i32 = arith.constant 0 : i32
    %c0_i32_0 = arith.constant 0 : i32
    return %arg0, %c0_i32 : i32, i32
  }
  func.func @transform_1(%arg0: i32) -> (i32, i32) {
    %c0_i32 = arith.constant 0 : i32
    %c0_i32_0 = arith.constant 0 : i32
    return %arg0, %c0_i32 : i32, i32
  }
  func.func @transform_2(%arg0: i32) -> (i32, i32) {
    %c0_i32 = arith.constant 0 : i32
    %c0_i32_0 = arith.constant 0 : i32
    return %arg0, %c0_i32 : i32, i32
  }
  func.func @transform_3(%arg0: i32) -> i32 {
    %c0_i32 = arith.constant 0 : i32
    return %arg0 : i32
  }
  func.func @transform_4(%arg0: i32) -> i32 {
    %c0_i32 = arith.constant 0 : i32
    %c0_i32_0 = arith.constant 0 : i32
    return %c0_i32 : i32
  }
  func.func @transform_5(%arg0: i32) -> i32 {
    %c0_i32 = arith.constant 0 : i32
    %c0_i32_0 = arith.constant 0 : i32
    return %c0_i32 : i32
  }
  func.func @transform_6(%arg0: i32) -> i32 {
    %c0_i32 = arith.constant 0 : i32
    %c0_i32_0 = arith.constant 0 : i32
    return %c0_i32 : i32
  }
  func.func @transform_7(%arg0: i32) -> i32 {
    %c0_i32 = arith.constant 0 : i32
    return %arg0 : i32
  }
}

</mosaic_0001>

<sc_bundles>
// kernel: kernel.11.cloned.1.call-start
scs
__scs_entry_jumppad:
0x0: {  	(pc) =	sbr.rel $0x88, $3  }
0x1: {  	(tag) =	ssettag $0x0;
	lr =	simm.s32 $0x1  }
0x2: {  	[smem:$0x3F99] =	sst lr;
	_ =	strace $0xD0000000  }
0x3: {  	_ = 	snop  }
0x4: {  	_ = 	snop  }
0x5: {  	_ = 	snop  }
0x6: {  	_ = 	snop  }
0x7: {  	_ = 	snop  }
__scs_overlays_trampoline_lowered:
0x8: {  	[smem:$0x3FA8] =	sst s0  }
0x9: {  	[smem:$0x3FA9] =	sst s1  }
0xa: {  	[smem:$0x3FAA] =	sst s2  }
0xb: {  	[smem:$0x3FAB] =	sst s3  }
0xc: {  	[smem:$0x3FAC] =	sst s4  }
0xd: {  	[smem:$0x3FAD] =	sst s5  }
0xe: {  	[smem:$0x3FAE] =	sst s6  }
0xf: {  	[smem:$0x3FAF] =	sst s7  }
0x10: {  	[smem:$0x3FB0] =	sst s8  }
0x11: {  	[smem:$0x3FB1] =	sst s9;
	s0 =	simm.s32 @!p0 $0x0  }
0x12: {  	s1 =	sld [smem:$0x3F97];
	s0 =	simm.s32 @p0 $0x1  }
0x13: {  	[smem:$0x3FB2] =	sst s0;
	s0 =	simm.s32 @!p1 $0x0  }
0x14: {  	s2 =	sld [smem:$0x3F96];
	s0 =	simm.s32 @p1 $0x1  }
0x15: {  	[smem:$0x3FB3] =	sst s0;
	s0 =	simm.s32 @!p2 $0x0  }
0x16: {  	s3 =	sld [smem:$0x3FDB];
	s0 =	simm.s32 @p2 $0x1  }
0x17: {  	s4 =	simm.s32 $0x1BF5;
	[smem:$0x3FB5] =	sst s0  }
0x18: {  	s0 =	sld [smem:$0x3F98];
	_ =	swait.ge [sflag:s4], $0x0  }
0x19: {  	s7 =	sld [smem:$0x3F99]  }
0x1a: {  	s8 =	sadd.s32 $0xFFFFE003, lr  }
0x1b: {  	s9 =	sadd.s32 $0xFFFFFEF7, lr;
	s5 =	simm.s32 $0xFFFFFFFF;
	p2 =	slt.u32 s8, $0xFFFFF086  }
0x1c: {  	p1 =	slt.u32 s9, $0xF7A;
	s5 =	simm.s32 @!p2 $0x0  }
0x1d: {  	s5 =	simm.s32 @p1 $0x1;
	p0 =	seq.s32 s7, s2  }
0x1e: {  	s7 =	smul.u32 @!p0 $0xF7A, s2;
	p2 =	seq.s32 @!p0 s5, $0x0  }
0x1f: {  	s9 =	smul.u32 $0xF7A, s1;
	s8 =	simm.s32 @!p0 $0x1BF5;
	p2 =	por !p2, p0  }
0x20: {  	[sflag:s8] =	ssyncset.s32 @!p0 $0xFFFFF086;
	s6 =	sadd.s32 @!p0 s3, s7;
	s7 =	simm.s32 @!p0 $0x108  }
0x21: {  	s3 =	sadd.s32 s3, s9;
	s6 =	sadd.s32 @!p0 $0x88, s6;
	s7 =	simm.s32 @p2 $0x1082  }
0x22: {  	[simem:s7], [sflag:s8] =	dma.local @!p0 [hbm:s6], $0xF7A  }
0x23: {  	s9 =	sor.u32 $0xD0000000, s2;
	s6 =	simm.s32 $0x108;
	_ =	swait.ge @!p0 [sflag:s8], $0x0  }
0x24: {  	s3 =	sadd.s32 $0x88, s3;
	s6 =	simm.s32 @!p1 $0x1082;
	[sflag:s4] =	ssyncset.s32 $0xFFFFF086  }
0x25: {  	[simem:s6], [sflag:s4] =	dma.local [hbm:s3], $0xF7A  }
0x26: {  	[smem:$0x3F99] =	sst s1;
	(tag) =	ssettag s2;
	_ =	strace s9  }
0x27: {  	s1 =	sld [smem:$0x3FA9]  }
0x28: {  	s2 =	sld [smem:$0x3FAA]  }
0x29: {  	s4 =	sld [smem:$0x3FAC]  }
0x2a: {  	p0 =	seq.s32 s5, $0x0;
	s5 =	sld [smem:$0x3FAD]  }
0x2b: {  	s6 =	sld [smem:$0x3FAE]  }
0x2c: {  	s7 =	sld [smem:$0x3FAF]  }
0x2d: {  	s3 =	simm.s32 $0x108;
	s8 =	sld [smem:$0x3FB0]  }
0x2e: {  	s3 =	simm.s32 @!p0 $0x1082;
	s9 =	sld [smem:$0x3FB1]  }
0x2f: {  	lr =	sadd.s32 s0, s3;
	s0 =	sld [smem:$0x3FA8]  }
0x30: {  	s3 =	sld [smem:$0x3FAB]  }
0x31: {  	[smem:$0x3FB4] =	sst s10  }
0x32: {  	s10 =	sld [smem:$0x3FB2];
	_ =	sdelay $0x3  }
0x33: {  	p0 =	seq.s32 s10, $0x1;
	s10 =	sld [smem:$0x3FB4];
	_ =	sdelay $0x3  }
0x34: {  	[smem:$0x3FB4] =	sst s10  }
0x35: {  	s10 =	sld [smem:$0x3FB3];
	_ =	sdelay $0x3  }
0x36: {  	p1 =	seq.s32 s10, $0x1;
	s10 =	sld [smem:$0x3FB4];
	_ =	sdelay $0x3  }
0x37: {  	[smem:$0x3FB4] =	sst s10  }
0x38: {  	s10 =	sld [smem:$0x3FB5]  }
0x39: {  	_ = 	snop;
	(pc) =	sbr.ind lr, $3  }
0x3a: {  	_ = 	snop  }
0x3b: {  	_ = 	snop  }
0x3c: {  	p2 =	seq.s32 s10, $0x1;
	s10 =	sld [smem:$0x3FB4]  }
0x3d: {  	_ =	shalt  }
0x3e: {  	_ =	shalt  }
0x3f: {  	_ =	shalt  }
0x40: {  	_ =	shalt  }
0x41: {  	_ =	shalt  }
0x42: {  	_ =	shalt  }
0x43: {  	_ =	shalt  }
0x44: {  	_ =	shalt  }
0x45: {  	_ =	shalt  }
0x46: {  	_ =	shalt  }
0x47: {  	_ =	shalt  }
0x48: {  	_ =	shalt  }
0x49: {  	_ =	shalt  }
0x4a: {  	_ =	shalt  }
0x4b: {  	_ =	shalt  }
0x4c: {  	_ =	shalt  }
0x4d: {  	_ =	shalt  }
0x4e: {  	_ =	shalt  }
0x4f: {  	_ =	shalt  }
0x50: {  	_ =	shalt  }
0x51: {  	_ =	shalt  }
0x52: {  	_ =	shalt  }
0x53: {  	_ =	shalt  }
0x54: {  	_ =	shalt  }
0x55: {  	_ =	shalt  }
0x56: {  	_ =	shalt  }
0x57: {  	_ =	shalt  }
0x58: {  	_ =	shalt  }
0x59: {  	_ =	shalt  }
0x5a: {  	_ =	shalt  }
0x5b: {  	_ =	shalt  }
0x5c: {  	_ =	shalt  }
0x5d: {  	_ =	shalt  }
0x5e: {  	_ =	shalt  }
0x5f: {  	_ =	shalt  }
0x60: {  	_ =	shalt  }
0x61: {  	_ =	shalt  }
0x62: {  	_ =	shalt  }
0x63: {  	_ =	shalt  }
0x64: {  	_ =	shalt  }
0x65: {  	_ =	shalt  }
0x66: {  	_ =	shalt  }
0x67: {  	_ =	shalt  }
0x68: {  	_ =	shalt  }
0x69: {  	_ =	shalt  }
0x6a: {  	_ =	shalt  }
0x6b: {  	_ =	shalt  }
0x6c: {  	_ =	shalt  }
0x6d: {  	_ =	shalt  }
0x6e: {  	_ =	shalt  }
0x6f: {  	_ =	shalt  }
0x70: {  	_ =	shalt  }
0x71: {  	_ =	shalt  }
0x72: {  	_ =	shalt  }
0x73: {  	_ =	shalt  }
0x74: {  	_ =	shalt  }
0x75: {  	_ =	shalt  }
0x76: {  	_ =	shalt  }
0x77: {  	_ =	shalt  }
0x78: {  	_ =	shalt  }
0x79: {  	_ =	shalt  }
0x7a: {  	_ =	shalt  }
0x7b: {  	_ =	shalt  }
0x7c: {  	_ =	shalt  }
0x7d: {  	_ =	shalt  }
0x7e: {  	_ =	shalt  }
0x7f: {  	_ =	shalt  }
0x80: {  	_ =	shalt  }
0x81: {  	_ =	shalt  }
0x82: {  	_ =	shalt  }
0x83: {  	_ =	shalt  }
0x84: {  	_ =	shalt  }
0x85: {  	_ =	shalt  }
0x86: {  	_ =	shalt  }
0x87: {  	_ =	shalt  }
.Lfunc_end0:
.L_simem_size_0:
called_computation.1_lowered:
.L_overlay_start_0:
0x88: {  	s2 =	sld [smem:$0x3FD9]  }
0x89: {  	s3 =	sld [smem:$0x3FFE];
	_ =	sdelay $0x1  }
0x8a: {  	s1 =	srdreg.scid  }
0x8b: {  	s0 =	sand.u32 $0x1, s1  }
0x8c: {  	s16 =	sshll.u32 s0, $0xA;
	s2 =	sadd.s32 s3, s2  }
0x8d: {  	s2 =	sadd.s32 s2, s16  }
0x8e: {  	[smem:$0x3FC0] =	sst s2  }
0x8f: {  	_ = 	snop  }
0x90: {  	(tm) =	ssettm $0x1  }
0x91: {  	s17 =	sld [smem:$0x3FFB];
	_ =	sdelay $0x3  }
0x92: {  	_ =	strace s17  }
0x93: {  	s2 =	sld [smem:$0x3FFC];
	_ =	sdelay $0x3  }
0x94: {  	_ =	strace s2  }
0x95: {  	s2 =	sld [smem:$0x3FFD];
	_ =	sdelay $0x3  }
0x96: {  	_ =	strace s2  }
0x97: {  	_ =	strace $0x8FFFFFFF  }
0x98: {  	s18 =	sld [smem:$0x3FDB];
	_ =	sdelay $0x1  }
0x99: {  	s19 =	simm.s32 $_scs_section_size  }
0x9a: {  	s4 =	simm.s32 $_size__tile_overlayer_lowered;
	s5 =	simm.s32 $_tile_overlayer_lowered  }
0x9b: {  	s22 =	simm.s32 $0x1BFF;
	s21 =	sshll.u32 s5, $0x1;
	s2 =	sadd.s32 s19, s18  }
0x9c: {  	s6 =	simm.s32 $0x0;
	s20 =	sshll.u32 s4, $0x1;
	s4 =	sadd.s32 s21, s2  }
0x9d: {  	[timem:s6], [sflag:s22] =	dma.local [hbm:s4], s20  }
0x9e: {  	_ =	swait.ge [sflag:s22], s20  }
0x9f: {  	s3 =	ssub.s32 $0x0, s20;
	[sflag:s22] =	ssyncset.done $0x0  }
0xa0: {  	[sflag:s22] =	ssyncadd.s32 s3;
	_ =	sdelay $0x1  }
0xa1: {  	s23 =	simm.s32 $0x1B8B  }
0xa2: {  	_ =	swait.ge [sflag:s23], $0x1  }
0xa3: {  	[sflag:s23] =	ssyncset.done $0x0  }
0xa4: {  	s25 =	simm.s32 $0x1B8E;
	s24 =	sld [smem:$0x3FFE];
	[sflag:s23] =	ssyncadd.s32 $0xFFFFFFFF  }
0xa5: {  	s26 =	simm.s32 $execute0_lowered;
	[smem:$0x3FD2] =	sst s25  }
0xa6: {  	s4 =	sshll.u32 s26, $0x1;
	_ =	strace $0x80000049;
	[dreg:$0x1] =	wrdreg $0xFFFFFFFF  }
0xa7: {  	s28 =	simm.s32 $_size_execute0_lowered;
	s2 =	sadd.s32 s2, s4;
	[dreg:$0x0] =	wrdreg $0x0  }
0xa8: {  	s4 =	sshll.u32 s28, $0x1;
	[dreg:$0x2] =	wrdreg s2  }
0xa9: {  	[dreg:$0x3] =	wrdreg s4  }
0xaa: {  	[dreg:$0x4] =	wrdreg $0xC0  }
0xab: {  	_ =	task [dreg:s6], $0x5FFFF  }
0xac: {  	[dreg:$0x1] =	wrdreg $0xFFFFFFFF  }
0xad: {  	[dreg:$0x0] =	wrdreg $0x60  }
0xae: {  	[dreg:$0x2] =	wrdreg s24  }
0xaf: {  	[dreg:$0x3] =	wrdreg $0xBC000  }
0xb0: {  	[dreg:$0x4] =	wrdreg $0x9  }
0xb1: {  	_ =	task.clear_ibuf [dreg:s6], $0x5FFFF;
	_ =	strace $0x90000049  }
0xb2: {  	s29 =	simm.s32 $0x9;
	_ =	strace $0x8000004B  }
0xb3: {  	_ =	swait.ge [sflag:s29], $0x1  }
0xb4: {  	[sflag:s29] =	ssyncadd.s32 $0xFFFFFFFF  }
0xb5: {  	_ =	strace $0x9000004B  }
0xb6: {  	_ =	sfence  }
0xb7: {  	s30 =	sld [smem:$0x0];
	_ =	sdelay $0x2  }
0xb8: {  	s31 =	sshll.u32 s1, $0xD;
	s1 =	sshrl.u32 s1, $0x2  }
0xb9: {  	s3 =	sand.u32 $0x4000, s31;
	s1 =	sadd.s32 s1, s30  }
0xba: {  	s0 =	sor.u32 s3, s0;
	s1 =	sshll.u32 s1, $0x11  }
0xbb: {  	s0 =	sor.u32 s1, s0  }
0xbc: {  	s0 =	sadd.s32 $0x8F2B, s0  }
0xbd: {  	[sflag:s0] =	ssyncadd.remote.s32 $0x1  }
0xbe: {  	_ =	sfence.sel $0xFFFF  }
0xbf: {  	[dreg:$0x0] =	wrdreg $0xFFFFFFFF;
	(pc) =	sbr.abs _section_cstart, $3  }
0xc0: {  	[dreg:$0x1] =	wrdreg $0xFFFFFFFF  }
0xc1: {  	_ =	task.clear_ibuf [dreg:s6], $0x2FFFF;
	_ =	strace $0x9FFFFFFF  }
0xc2: {  	(tm) =	ssettm $0x7FFFFFFF  }
0xc3: {  	_ =	shalt  }
tec
execute0_lowered:
.L_overlay_start_1:
0x0: {  	(tag) =	ssettag $0x1  }
0x1: {  	s0 =	srdreg.scid;
	s1 =	rddreg [dreg:$0x0]  }
0x2: {  	s10 =	stileid.u32;
	s2 =	rddreg [dreg:$0x1];
	s21 =	simm.s32 $0x3  }
0x3: {  	s23 =	simm.s32 $0x80;
	s24 =	simm.s32 $0x7C00;
	s25 =	simm.s32 $0x1  }
0x4: {  	s26 =	simm.s32 $0x2;
	s28 =	simm.s32 $0x1380;
	s0 =	sand.u32 $0x1, s0  }
0x5: {  	s13 =	sadd.s32 $0xCA00, s1;
	s4 =	sadd.s32 $0x16A00, s1;
	s7 =	smul.u32 $0x50000, s10  }
0x6: {  	s5 =	sadd.s32 $0x3EA00, s1;
	s14 =	smul.u32 $0x14000, s10;
	s3 =	sshll.u32 s0, $0x4  }
0x7: {  	s6 =	ssub.s32 $0x2, s0;
	s0 =	smul.u32 $0x140000, s0;
	s9 =	sor.u32 s10, s3  }
0x8: {  	s3 =	simm.s32 $0x0;
	s8 =	sshrl.u32 s6, $0x1;
	s30 =	sshrl.u32 s7, $0x2  }
0x9: {  	s15 =	sadd.s32 $0x4000, s14;
	s16 =	sadd.s32 $0x8000, s14;
	s18 =	sadd.s32 $0xC000, s14  }
0xa: {  	s20 =	sadd.s32 $0x10000, s14;
	s12 =	smul.u32 $0x500, s9;
	[smem:$0x7FF] =	sst s3  }
0xb: {  	s19 =	ssub.s32 s6, s8;
	s6 =	sadd.s32 s30, s2;
	s7 =	sadd.s32 s15, s2  }
0xc: {  	s8 =	sadd.s32 s16, s2;
	s17 =	smul.u32 $0x2800, s9;
	s9 =	sadd.s32 s18, s2  }
0xd: {  	s10 =	sadd.s32 s20, s2;
	s14 =	sadd.s32 s14, s0;
	s15 =	sadd.s32 s0, s15  }
0xe: {  	s16 =	sadd.s32 s0, s16;
	s31 =	sadd.s32 s0, s18;
	s0 =	sadd.s32 s0, s20  }
0xf: {  	s20 =	simm.s32 $0x3C00;
	_ =	strace $0x8000004A;
	s14 =	sshrl.u32 s14, $0x3  }
0x10: {  	s15 =	sshrl.u32 s15, $0x3;
	s16 =	sshrl.u32 s16, $0x3;
	s0 =	sshrl.u32 s0, $0x3  }
0x11: {  	s19 =	smax.u32 s19, $0x1;
	s11 =	sadd.s32 s12, s1;
	s1 =	sadd.s32 $0x3F200, s1  }
0x12: {  	s12 =	sadd.s32 s13, s12;
	s17 =	sshrl.u32 s17, $0x3;
	s11 =	sadd.s32 $0x2A00, s11  }
0x13: {  	s13 =	sadd.s32 s13, s17;
	s14 =	sadd.s32 s1, s14;
	s15 =	sadd.s32 s1, s15  }
0x14: {  	s17 =	sshrl.u32 s31, $0x3;
	s16 =	sadd.s32 s1, s16;
	s18 =	sadd.s32 s1, s0  }
0x15: {  	s0 =	simm.s32 $0x0;
	s13 =	sadd.s32 $0x280, s13;
	s17 =	sadd.s32 s1, s17  }
.LBB2_1:
0x16: {  	[tilespmem:s20], [sflag:$0x3] =	stream.linear.gather [hbm4b:s5+s3], $0x4000, $0x38;
	[tilespmem:$0x1FC00] =	vst v63  }
0x17: {  	_ =	swait.ge [sflag:s21], $0x4000  }
0x18: {  	[sflag:s21] =	ssyncset.done $0x0  }
0x19: {  	[sflag:s21] =	ssyncadd.s32 $0xFFFFC000  }
0x1a: {  	[spmem:s6] =	stream.linear.scatter [tilespmem:s20], [sflag:$0x3], $0x4000, $0x38;
	[tilespmem:$0x1FC00] =	vst v63  }
0x1b: {  	_ =	swait.ge [sflag:s21], $0x4000  }
0x1c: {  	[sflag:s21] =	ssyncset.done $0x0  }
0x1d: {  	[sflag:s21] =	ssyncadd.s32 $0xFFFFC000  }
0x1e: {  	[spmem:s7] =	stream.linear.scatter [tilespmem:s20], [sflag:$0x3], $0x4000, $0x38;
	[tilespmem:$0x1FC00] =	vst v63  }
0x1f: {  	_ =	swait.ge [sflag:s21], $0x4000  }
0x20: {  	[sflag:s21] =	ssyncset.done $0x0  }
0x21: {  	[sflag:s21] =	ssyncadd.s32 $0xFFFFC000  }
0x22: {  	[spmem:s8] =	stream.linear.scatter [tilespmem:s20], [sflag:$0x3], $0x4000, $0x38;
	[tilespmem:$0x1FC00] =	vst v63  }
0x23: {  	_ =	swait.ge [sflag:s21], $0x4000  }
0x24: {  	[sflag:s21] =	ssyncset.done $0x0  }
0x25: {  	[sflag:s21] =	ssyncadd.s32 $0xFFFFC000  }
0x26: {  	[spmem:s9] =	stream.linear.scatter [tilespmem:s20], [sflag:$0x3], $0x4000, $0x38;
	[tilespmem:$0x1FC00] =	vst v63  }
0x27: {  	_ =	swait.ge [sflag:s21], $0x4000  }
0x28: {  	[sflag:s21] =	ssyncset.done $0x0  }
0x29: {  	[sflag:s21] =	ssyncadd.s32 $0xFFFFC000  }
0x2a: {  	[spmem:s10] =	stream.linear.scatter [tilespmem:s20], [sflag:$0x3], $0x4000, $0x38;
	[tilespmem:$0x1FC00] =	vst v63  }
0x2b: {  	_ =	swait.ge [sflag:s21], $0x4000  }
0x2c: {  	[sflag:s21] =	ssyncset.done $0x0  }
0x2d: {  	s1 =	simm.s32 $0x1400;
	[sflag:s21] =	ssyncadd.s32 $0xFFFFC000  }
0x2e: {  	[tilespmem:s1], [sflag:$0x3] =	stream.linear.gather [hbm4b:s11+s3], $0x2800, $0x38;
	[tilespmem:$0x1FC00] =	vst v63  }
0x2f: {  	_ =	swait.ge [sflag:s21], $0x2800  }
0x30: {  	[sflag:s21] =	ssyncset.done $0x0  }
0x31: {  	[sflag:s21] =	ssyncadd.s32 $0xFFFFD800  }
0x32: {  	[bflag:$0x0] =	sbarrier.arrive $0xFFFF  }
0x33: {  	[tilespmem:s3], [sflag:$0x3] =	stream.linear.gather [hbm4b:s12+s3], $0x1400, $0x38;
	[tilespmem:$0x1FC00] =	vst v63  }
0x34: {  	_ =	swait.ge [sflag:s21], $0x1400  }
0x35: {  	[sflag:s21] =	ssyncset.done $0x0  }
0x36: {  	[sflag:s21] =	ssyncadd.s32 $0xFFFFEC00  }
0x37: {  	[tilespmem:s20], [sflag:$0x1] =	stream.indirect.gather [hbm4b:s4+s23], $0x80, s3, s23, $0xb8;
	[tilespmem:$0x1FC00] =	vst v63  }
0x38: {  	s22 =	simm.s32 $0x80  }
0x39: {  	[tilespmem:s24], [sflag:$0x2] =	stream.indirect.gather [hbm4b:s4+s23], $0x80, s22, s23, $0xb8;
	[tilespmem:$0x1FC00] =	vst v63  }
0x3a: {  	_ =	swait.ge [sflag:s25], $0x4000  }
0x3b: {  	[sflag:s25] =	ssyncset.done $0x0  }
0x3c: {  	s1 =	simm.s32 $0x1400;
	[sflag:s25] =	ssyncadd.s32 $0xFFFFC000  }
0x3d: {  	[spmem:s2] =	stream.indirect.scatter.add.f32 [tilespmem:s20], [sflag:$0x3], $0x80, s1, s23, $0xb8;
	[tilespmem:$0x1FC00] =	vst v63  }
0x3e: {  	_ =	swait.ge [sflag:s21], $0x4000  }
0x3f: {  	[sflag:s21] =	ssyncset.done $0x0  }
0x40: {  	s30 =	simm.s32 $0x100;
	[sflag:s21] =	ssyncadd.s32 $0xFFFFC000  }
0x41: {  	[tilespmem:s20], [sflag:$0x1] =	stream.indirect.gather [hbm4b:s4+s23], $0x80, s30, s23, $0xb8;
	[tilespmem:$0x1FC00] =	vst v63  }
0x42: {  	_ =	swait.ge [sflag:s26], $0x4000  }
0x43: {  	[sflag:s26] =	ssyncset.done $0x0  }
0x44: {  	s31 =	simm.s32 $0x1480;
	[sflag:s26] =	ssyncadd.s32 $0xFFFFC000  }
0x45: {  	[spmem:s2] =	stream.indirect.scatter.add.f32 [tilespmem:s24], [sflag:$0x3], $0x80, s31, s23, $0xb8;
	[tilespmem:$0x1FC00] =	vst v63  }
0x46: {  	_ =	swait.ge [sflag:s21], $0x4000  }
0x47: {  	s29 =	simm.s32 $0x800;
	s22 =	simm.s32 $0x100;
	[sflag:s21] =	ssyncset.done $0x0  }
.LBB2_2:
0x48: {  	s30 =	sadd.s32 $0x80, s22  }
0x49: {  	[sflag:s21] =	ssyncadd.s32 $0xFFFFC000;
	s31 =	smov.u32 s29;
	s1 =	sadd.s32 $0x400, s29  }
0x4a: {  	[tilespmem:s24], [sflag:$0x2] =	stream.indirect.gather [hbm4b:s4+s23], $0x80, s30, s23, $0xb8;
	[tilespmem:$0x1FC00] =	vst v63  }
0x4b: {  	p0 =	sne.s32 s29, $0x4800;
	_ =	swait.ge [sflag:s25], $0x4000  }
0x4c: {  	[sflag:s25] =	ssyncset.done $0x0  }
0x4d: {  	s29 =	sadd.s32 $0x1400, s22;
	[sflag:s25] =	ssyncadd.s32 $0xFFFFC000  }
0x4e: {  	[spmem:s2] =	stream.indirect.scatter.add.f32 [tilespmem:s20], [sflag:$0x3], $0x80, s29, s23, $0xb8;
	[tilespmem:$0x1FC00] =	vst v63  }
0x4f: {  	_ =	swait.ge [sflag:s21], $0x4000  }
0x50: {  	[sflag:s21] =	ssyncset.done $0x0  }
0x51: {  	s29 =	sadd.s32 $0x100, s22;
	[sflag:s21] =	ssyncadd.s32 $0xFFFFC000  }
0x52: {  	[tilespmem:s20], [sflag:$0x1] =	stream.indirect.gather [hbm4b:s4+s23], $0x80, s29, s23, $0xb8;
	[tilespmem:$0x1FC00] =	vst v63  }
0x53: {  	_ =	swait.ge [sflag:s26], $0x4000  }
.Ltmp0:
0x54: {  	[sflag:s26] =	ssyncset.done $0x0;
	(pc) =	sbr.rel @p0 .LBB2_2-.Ltmp0, $4  }
0x55: {  	s22 =	sadd.s32 $0x1480, s22;
	[sflag:s26] =	ssyncadd.s32 $0xFFFFC000  }
0x56: {  	[spmem:s2] =	stream.indirect.scatter.add.f32 [tilespmem:s24], [sflag:$0x3], $0x80, s22, s23, $0xb8;
	[tilespmem:$0x1FC00] =	vst v63  }
0x57: {  	_ =	swait.ge [sflag:s21], $0x4000  }
0x58: {  	s29 =	smov.u32 s1;
	s22 =	sshra.s32 s31, $0x2;
	[sflag:s21] =	ssyncset.done $0x0  }
0x59: {  	s1 =	sadd.s32 $0x80, s22;
	[sflag:s21] =	ssyncadd.s32 $0xFFFFC000  }
0x5a: {  	[tilespmem:s24], [sflag:$0x2] =	stream.indirect.gather [hbm4b:s4+s23], $0x80, s1, s23, $0xb8;
	[tilespmem:$0x1FC00] =	vst v63  }
0x5b: {  	_ =	swait.ge [sflag:s25], $0x4000  }
0x5c: {  	[sflag:s25] =	ssyncset.done $0x0  }
0x5d: {  	s31 =	sadd.s32 $0x1400, s22;
	[sflag:s25] =	ssyncadd.s32 $0xFFFFC000  }
0x5e: {  	[spmem:s2] =	stream.indirect.scatter.add.f32 [tilespmem:s20], [sflag:$0x3], $0x80, s31, s23, $0xb8;
	[tilespmem:$0x1FC00] =	vst v63  }
0x5f: {  	_ =	swait.ge [sflag:s21], $0x4000  }
0x60: {  	[sflag:s21] =	ssyncset.done $0x0  }
0x61: {  	s30 =	sadd.s32 $0x100, s22;
	[sflag:s21] =	ssyncadd.s32 $0xFFFFC000  }
0x62: {  	[tilespmem:s20], [sflag:$0x1] =	stream.indirect.gather [hbm4b:s4+s23], $0x80, s30, s23, $0xb8;
	[tilespmem:$0x1FC00] =	vst v63  }
0x63: {  	_ =	swait.ge [sflag:s26], $0x4000  }
0x64: {  	[sflag:s26] =	ssyncset.done $0x0  }
0x65: {  	s31 =	sadd.s32 $0x1480, s22;
	[sflag:s26] =	ssyncadd.s32 $0xFFFFC000  }
0x66: {  	[spmem:s2] =	stream.indirect.scatter.add.f32 [tilespmem:s24], [sflag:$0x3], $0x80, s31, s23, $0xb8;
	[tilespmem:$0x1FC00] =	vst v63  }
0x67: {  	_ =	swait.ge [sflag:s21], $0x4000  }
0x68: {  	[sflag:s21] =	ssyncset.done $0x0  }
0x69: {  	[sflag:s21] =	ssyncadd.s32 $0xFFFFC000  }
0x6a: {  	[tilespmem:s24], [sflag:$0x2] =	stream.indirect.gather [hbm4b:s4+s23], $0x80, s28, s23, $0xb8;
	[tilespmem:$0x1FC00] =	vst v63  }
0x6b: {  	_ =	swait.ge [sflag:s25], $0x4000  }
0x6c: {  	[sflag:s25] =	ssyncset.done $0x0  }
0x6d: {  	s22 =	simm.s32 $0x2700;
	[sflag:s25] =	ssyncadd.s32 $0xFFFFC000  }
0x6e: {  	[spmem:s2] =	stream.indirect.scatter.add.f32 [tilespmem:s20], [sflag:$0x3], $0x80, s22, s23, $0xb8;
	[tilespmem:$0x1FC00] =	vst v63  }
0x6f: {  	_ =	swait.ge [sflag:s21], $0x4000  }
0x70: {  	[sflag:s21] =	ssyncset.done $0x0  }
0x71: {  	[sflag:s21] =	ssyncadd.s32 $0xFFFFC000  }
0x72: {  	_ =	swait.ge [sflag:s26], $0x4000  }
0x73: {  	[sflag:s26] =	ssyncset.done $0x0  }
0x74: {  	s30 =	simm.s32 $0x2780;
	[sflag:s26] =	ssyncadd.s32 $0xFFFFC000  }
0x75: {  	[spmem:s2] =	stream.indirect.scatter.add.f32 [tilespmem:s24], [sflag:$0x3], $0x80, s30, s23, $0xb8;
	[tilespmem:$0x1FC00] =	vst v63  }
0x76: {  	_ =	swait.ge [sflag:s21], $0x4000  }
0x77: {  	[sflag:s21] =	ssyncset.done $0x0  }
0x78: {  	[sflag:s21] =	ssyncadd.s32 $0xFFFFC000  }
0x79: {  	[tilespmem:s3], [sflag:$0x3] =	stream.linear.gather [hbm4b:s13+s3], $0x1400, $0x38;
	[tilespmem:$0x1FC00] =	vst v63  }
0x7a: {  	_ =	swait.ge [sflag:s21], $0x1400  }
0x7b: {  	[sflag:s21] =	ssyncset.done $0x0  }
0x7c: {  	[sflag:s21] =	ssyncadd.s32 $0xFFFFEC00  }
0x7d: {  	[tilespmem:s20], [sflag:$0x1] =	stream.indirect.gather [hbm4b:s4+s23], $0x80, s3, s23, $0xb8;
	[tilespmem:$0x1FC00] =	vst v63  }
0x7e: {  	s31 =	simm.s32 $0x80  }
0x7f: {  	[tilespmem:s24], [sflag:$0x2] =	stream.indirect.gather [hbm4b:s4+s23], $0x80, s31, s23, $0xb8;
	[tilespmem:$0x1FC00] =	vst v63  }
0x80: {  	_ =	swait.ge [sflag:s25], $0x4000  }
0x81: {  	[sflag:s25] =	ssyncset.done $0x0  }
0x82: {  	s22 =	simm.s32 $0x2800;
	[sflag:s25] =	ssyncadd.s32 $0xFFFFC000  }
0x83: {  	[spmem:s2] =	stream.indirect.scatter.add.f32 [tilespmem:s20], [sflag:$0x3], $0x80, s22, s23, $0xb8;
	[tilespmem:$0x1FC00] =	vst v63  }
0x84: {  	_ =	swait.ge [sflag:s21], $0x4000  }
0x85: {  	[sflag:s21] =	ssyncset.done $0x0  }
0x86: {  	s30 =	simm.s32 $0x100;
	[sflag:s21] =	ssyncadd.s32 $0xFFFFC000  }
0x87: {  	[tilespmem:s20], [sflag:$0x1] =	stream.indirect.gather [hbm4b:s4+s23], $0x80, s30, s23, $0xb8;
	[tilespmem:$0x1FC00] =	vst v63  }
0x88: {  	_ =	swait.ge [sflag:s26], $0x4000  }
0x89: {  	[sflag:s26] =	ssyncset.done $0x0  }
0x8a: {  	s31 =	simm.s32 $0x2880;
	[sflag:s26] =	ssyncadd.s32 $0xFFFFC000  }
0x8b: {  	[spmem:s2] =	stream.indirect.scatter.add.f32 [tilespmem:s24], [sflag:$0x3], $0x80, s31, s23, $0xb8;
	[tilespmem:$0x1FC00] =	vst v63  }
0x8c: {  	_ =	swait.ge [sflag:s21], $0x4000  }
0x8d: {  	s29 =	simm.s32 $0xFFFFBC00;
	s22 =	simm.s32 $0xFFFFEE00;
	[sflag:s21] =	ssyncset.done $0x0  }
.LBB2_4:
0x8e: {  	s1 =	sadd.s32 $0x1380, s22  }
0x8f: {  	[sflag:s21] =	ssyncadd.s32 $0xFFFFC000;
	s30 =	smov.u32 s29;
	s31 =	sadd.s32 $0x400, s29  }
0x90: {  	[tilespmem:s24], [sflag:$0x2] =	stream.indirect.gather [hbm4b:s4+s23], $0x80, s1, s23, $0xb8;
	[tilespmem:$0x1FC00] =	vst v63  }
0x91: {  	p0 =	sne.s32 s29, $0xFFFFFC00;
	_ =	swait.ge [sflag:s25], $0x4000  }
0x92: {  	[sflag:s25] =	ssyncset.done $0x0  }
0x93: {  	s1 =	sadd.s32 $0x3B00, s22;
	[sflag:s25] =	ssyncadd.s32 $0xFFFFC000  }
0x94: {  	[spmem:s2] =	stream.indirect.scatter.add.f32 [tilespmem:s20], [sflag:$0x3], $0x80, s1, s23, $0xb8;
	[tilespmem:$0x1FC00] =	vst v63  }
0x95: {  	_ =	swait.ge [sflag:s21], $0x4000  }
0x96: {  	[sflag:s21] =	ssyncset.done $0x0  }
0x97: {  	s1 =	sadd.s32 $0x1400, s22;
	[sflag:s21] =	ssyncadd.s32 $0xFFFFC000  }
0x98: {  	[tilespmem:s20], [sflag:$0x1] =	stream.indirect.gather [hbm4b:s4+s23], $0x80, s1, s23, $0xb8;
	[tilespmem:$0x1FC00] =	vst v63  }
0x99: {  	_ =	swait.ge [sflag:s26], $0x4000  }
.Ltmp1:
0x9a: {  	[sflag:s26] =	ssyncset.done $0x0;
	(pc) =	sbr.rel @p0 .LBB2_4-.Ltmp1, $4  }
0x9b: {  	s1 =	sadd.s32 $0x3B80, s22;
	[sflag:s26] =	ssyncadd.s32 $0xFFFFC000  }
0x9c: {  	[spmem:s2] =	stream.indirect.scatter.add.f32 [tilespmem:s24], [sflag:$0x3], $0x80, s1, s23, $0xb8;
	[tilespmem:$0x1FC00] =	vst v63  }
0x9d: {  	_ =	swait.ge [sflag:s21], $0x4000  }
0x9e: {  	s29 =	smov.u32 s31;
	s22 =	sshra.s32 s30, $0x2;
	[sflag:s21] =	ssyncset.done $0x0  }
0x9f: {  	s1 =	sadd.s32 $0x1380, s22;
	[sflag:s21] =	ssyncadd.s32 $0xFFFFC000  }
0xa0: {  	[tilespmem:s24], [sflag:$0x2] =	stream.indirect.gather [hbm4b:s4+s23], $0x80, s1, s23, $0xb8;
	[tilespmem:$0x1FC00] =	vst v63  }
0xa1: {  	_ =	swait.ge [sflag:s25], $0x4000  }
0xa2: {  	[sflag:s25] =	ssyncset.done $0x0  }
0xa3: {  	s30 =	sadd.s32 $0x3B00, s22;
	[sflag:s25] =	ssyncadd.s32 $0xFFFFC000  }
0xa4: {  	[spmem:s2] =	stream.indirect.scatter.add.f32 [tilespmem:s20], [sflag:$0x3], $0x80, s30, s23, $0xb8;
	[tilespmem:$0x1FC00] =	vst v63  }
0xa5: {  	_ =	swait.ge [sflag:s21], $0x4000  }
0xa6: {  	[sflag:s21] =	ssyncset.done $0x0  }
0xa7: {  	s31 =	sadd.s32 $0x1400, s22;
	[sflag:s21] =	ssyncadd.s32 $0xFFFFC000  }
0xa8: {  	[tilespmem:s20], [sflag:$0x1] =	stream.indirect.gather [hbm4b:s4+s23], $0x80, s31, s23, $0xb8;
	[tilespmem:$0x1FC00] =	vst v63  }
0xa9: {  	_ =	swait.ge [sflag:s26], $0x4000  }
0xaa: {  	[sflag:s26] =	ssyncset.done $0x0  }
0xab: {  	s29 =	sadd.s32 $0x3B80, s22;
	[sflag:s26] =	ssyncadd.s32 $0xFFFFC000  }
0xac: {  	[spmem:s2] =	stream.indirect.scatter.add.f32 [tilespmem:s24], [sflag:$0x3], $0x80, s29, s23, $0xb8;
	[tilespmem:$0x1FC00] =	vst v63  }
0xad: {  	_ =	swait.ge [sflag:s21], $0x4000  }
0xae: {  	[sflag:s21] =	ssyncset.done $0x0  }
0xaf: {  	[sflag:s21] =	ssyncadd.s32 $0xFFFFC000  }
0xb0: {  	[tilespmem:s24], [sflag:$0x2] =	stream.indirect.gather [hbm4b:s4+s23], $0x80, s28, s23, $0xb8;
	[tilespmem:$0x1FC00] =	vst v63  }
0xb1: {  	_ =	swait.ge [sflag:s25], $0x4000  }
0xb2: {  	[sflag:s25] =	ssyncset.done $0x0  }
0xb3: {  	s30 =	simm.s32 $0x3B00;
	[sflag:s25] =	ssyncadd.s32 $0xFFFFC000  }
0xb4: {  	[spmem:s2] =	stream.indirect.scatter.add.f32 [tilespmem:s20], [sflag:$0x3], $0x80, s30, s23, $0xb8;
	[tilespmem:$0x1FC00] =	vst v63  }
0xb5: {  	_ =	swait.ge [sflag:s21], $0x4000  }
0xb6: {  	[sflag:s21] =	ssyncset.done $0x0  }
0xb7: {  	[sflag:s21] =	ssyncadd.s32 $0xFFFFC000  }
0xb8: {  	_ =	swait.ge [sflag:s26], $0x4000  }
0xb9: {  	[sflag:s26] =	ssyncset.done $0x0  }
0xba: {  	s31 =	simm.s32 $0x3B80;
	[sflag:s26] =	ssyncadd.s32 $0xFFFFC000  }
0xbb: {  	[spmem:s2] =	stream.indirect.scatter.add.f32 [tilespmem:s24], [sflag:$0x3], $0x80, s31, s23, $0xb8;
	[tilespmem:$0x1FC00] =	vst v63  }
0xbc: {  	_ =	swait.ge [sflag:s21], $0x4000  }
0xbd: {  	[sflag:s21] =	ssyncset.done $0x0  }
0xbe: {  	[sflag:s21] =	ssyncadd.s32 $0xFFFFC000  }
0xbf: {  	[bflag:$0x0] =	sbarrier.arrive $0xFFFF  }
0xc0: {  	[tilespmem:s20], [sflag:$0x3] =	stream.linear.gather [spmem:s6], $0x4000, $0x38;
	[tilespmem:$0x1FC00] =	vst v63  }
0xc1: {  	_ =	swait.ge [sflag:s21], $0x4000  }
0xc2: {  	[sflag:s21] =	ssyncset.done $0x0  }
0xc3: {  	[sflag:s21] =	ssyncadd.s32 $0xFFFFC000  }
0xc4: {  	[hbm4b:s14+s3] =	stream.linear.scatter [tilespmem:s20], [sflag:$0x3], $0x4000, $0x38;
	[tilespmem:$0x1FC00] =	vst v63  }
0xc5: {  	_ =	swait.ge [sflag:s21], $0x4000  }
0xc6: {  	[sflag:s21] =	ssyncset.done $0x0  }
0xc7: {  	[sflag:s21] =	ssyncadd.s32 $0xFFFFC000  }
0xc8: {  	[tilespmem:s20], [sflag:$0x3] =	stream.linear.gather [spmem:s7], $0x4000, $0x38;
	[tilespmem:$0x1FC00] =	vst v63  }
0xc9: {  	_ =	swait.ge [sflag:s21], $0x4000  }
0xca: {  	[sflag:s21] =	ssyncset.done $0x0  }
0xcb: {  	[sflag:s21] =	ssyncadd.s32 $0xFFFFC000  }
0xcc: {  	[hbm4b:s15+s3] =	stream.linear.scatter [tilespmem:s20], [sflag:$0x3], $0x4000, $0x38;
	[tilespmem:$0x1FC00] =	vst v63  }
0xcd: {  	_ =	swait.ge [sflag:s21], $0x4000  }
0xce: {  	[sflag:s21] =	ssyncset.done $0x0  }
0xcf: {  	[sflag:s21] =	ssyncadd.s32 $0xFFFFC000  }
0xd0: {  	[tilespmem:s20], [sflag:$0x3] =	stream.linear.gather [spmem:s8], $0x4000, $0x38;
	[tilespmem:$0x1FC00] =	vst v63  }
0xd1: {  	_ =	swait.ge [sflag:s21], $0x4000  }
0xd2: {  	[sflag:s21] =	ssyncset.done $0x0  }
0xd3: {  	[sflag:s21] =	ssyncadd.s32 $0xFFFFC000  }
0xd4: {  	[hbm4b:s16+s3] =	stream.linear.scatter [tilespmem:s20], [sflag:$0x3], $0x4000, $0x38;
	[tilespmem:$0x1FC00] =	vst v63  }
0xd5: {  	_ =	swait.ge [sflag:s21], $0x4000  }
0xd6: {  	[sflag:s21] =	ssyncset.done $0x0  }
0xd7: {  	[sflag:s21] =	ssyncadd.s32 $0xFFFFC000  }
0xd8: {  	[tilespmem:s20], [sflag:$0x3] =	stream.linear.gather [spmem:s9], $0x4000, $0x38;
	[tilespmem:$0x1FC00] =	vst v63  }
0xd9: {  	_ =	swait.ge [sflag:s21], $0x4000  }
0xda: {  	[sflag:s21] =	ssyncset.done $0x0  }
0xdb: {  	[sflag:s21] =	ssyncadd.s32 $0xFFFFC000  }
0xdc: {  	[hbm4b:s17+s3] =	stream.linear.scatter [tilespmem:s20], [sflag:$0x3], $0x4000, $0x38;
	[tilespmem:$0x1FC00] =	vst v63  }
0xdd: {  	_ =	swait.ge [sflag:s21], $0x4000  }
0xde: {  	[sflag:s21] =	ssyncset.done $0x0  }
0xdf: {  	[sflag:s21] =	ssyncadd.s32 $0xFFFFC000  }
0xe0: {  	[tilespmem:s20], [sflag:$0x3] =	stream.linear.gather [spmem:s10], $0x4000, $0x38;
	[tilespmem:$0x1FC00] =	vst v63  }
0xe1: {  	s0 =	sadd.s32 $0x1, s0;
	_ =	swait.ge [sflag:s21], $0x4000  }
0xe2: {  	p0 =	sne.s32 s0, s19;
	[sflag:s21] =	ssyncset.done $0x0  }
.Ltmp2:
0xe3: {  	[sflag:s21] =	ssyncadd.s32 $0xFFFFC000;
	(pc) =	sbr.rel @p0 .LBB2_1-.Ltmp2, $4  }
0xe4: {  	[hbm4b:s18+s3] =	stream.linear.scatter [tilespmem:s20], [sflag:$0x3], $0x4000, $0x38;
	[tilespmem:$0x1FC00] =	vst v63  }
0xe5: {  	_ =	swait.ge [sflag:s21], $0x4000  }
0xe6: {  	[sflag:s21] =	ssyncset.done $0x0  }
0xe7: {  	[sflag:s21] =	ssyncadd.s32 $0xFFFFC000  }
0xe8: {  	_ =	sfence.sel $0x180000  }
0xe9: {  	[bflag:$0x0] =	sbarrier.arrive $0xFFFF  }
0xea: {  	_ =	strace $0x9000004A  }
0xeb: {  	s0 =	stileid.u32;
	[bflag:$0x2] =	sbarrier.arrive $0xFFFF  }
0xec: {  	p0 =	sne.s32 s0, $0x0;
	s0 =	rddreg [dreg:$0x2]  }
0xed: {  	s0 =	sadd.s32 @!p0 $0x100000, s0  }
0xee: {  	[sflag:s0] =	ssyncadd.tile.s32 @!p0 $0x1;
	_ =	shalt  }
.Lfunc_end2:
_tile_overlayer_lowered:
.L_overlay_start_2:
0xef: {  	(tag) =	ssettag $0x2  }
0xf0: {  	s0 =	rddreg [dreg:$0x0];
	s2 =	stileid.u32  }
0xf1: {  	s1 =	rddreg [dreg:$0x1];
	p0 =	sne.s32 s2, $0x0  }
0xf2: {  	s3 =	rddreg [dreg:$0x2];
	[bflag:$0x3] =	sbarrier.arrive $0xFFFF;
	s2 =	simm.s32 @!p0 $0x1C03  }
0xf3: {  	[timem:s3], [sflag:s2] =	dma.local @!p0 [hbm:s0], s1  }
0xf4: {  	s0 =	simm.s32 @!p0 $0x3  }
0xf5: {  	_ =	swait.ge @!p0 [sflag:s0], s1  }
0xf6: {  	s1 =	ssub.s32 @!p0 $0x0, s1;
	[sflag:s0] =	ssyncset.done @!p0 $0x0  }
0xf7: {  	[sflag:s0] =	ssyncadd.s32 @!p0 s1  }
0xf8: {  	[bflag:$0x3] =	sbarrier.arrive $0xFFFF  }
0xf9: {  	_ =	shalt  }

// kernel: kernel.14.cloned.1.call-start
scs
__scs_entry_jumppad:
0x0: {  	(pc) =	sbr.rel $0x88, $3  }
0x1: {  	(tag) =	ssettag $0x0;
	lr =	simm.s32 $0x1  }
0x2: {  	[smem:$0x3F99] =	sst lr;
	_ =	strace $0xD0000000  }
0x3: {  	_ = 	snop  }
0x4: {  	_ = 	snop  }
0x5: {  	_ = 	snop  }
0x6: {  	_ = 	snop  }
0x7: {  	_ = 	snop  }
__scs_overlays_trampoline_lowered:
0x8: {  	[smem:$0x3FA8] =	sst s0  }
0x9: {  	[smem:$0x3FA9] =	sst s1  }
0xa: {  	[smem:$0x3FAA] =	sst s2  }
0xb: {  	[smem:$0x3FAB] =	sst s3  }
0xc: {  	[smem:$0x3FAC] =	sst s4  }
0xd: {  	[smem:$0x3FAD] =	sst s5  }
0xe: {  	[smem:$0x3FAE] =	sst s6  }
0xf: {  	[smem:$0x3FAF] =	sst s7  }
0x10: {  	[smem:$0x3FB0] =	sst s8  }
0x11: {  	[smem:$0x3FB1] =	sst s9;
	s0 =	simm.s32 @!p0 $0x0  }
0x12: {  	s1 =	sld [smem:$0x3F97];
	s0 =	simm.s32 @p0 $0x1  }
0x13: {  	[smem:$0x3FB2] =	sst s0;
	s0 =	simm.s32 @!p1 $0x0  }
0x14: {  	s2 =	sld [smem:$0x3F96];
	s0 =	simm.s32 @p1 $0x1  }
0x15: {  	[smem:$0x3FB3] =	sst s0;
	s0 =	simm.s32 @!p2 $0x0  }
0x16: {  	s3 =	sld [smem:$0x3FDB];
	s0 =	simm.s32 @p2 $0x1  }
0x17: {  	s4 =	simm.s32 $0x1BF5;
	[smem:$0x3FB5] =	sst s0  }
0x18: {  	s0 =	sld [smem:$0x3F98];
	_ =	swait.ge [sflag:s4], $0x0  }
0x19: {  	s7 =	sld [smem:$0x3F99]  }
0x1a: {  	s8 =	sadd.s32 $0xFFFFE003, lr  }
0x1b: {  	s9 =	sadd.s32 $0xFFFFFEF7, lr;
	s5 =	simm.s32 $0xFFFFFFFF;
	p2 =	slt.u32 s8, $0xFFFFF086  }
0x1c: {  	p1 =	slt.u32 s9, $0xF7A;
	s5 =	simm.s32 @!p2 $0x0  }
0x1d: {  	s5 =	simm.s32 @p1 $0x1;
	p0 =	seq.s32 s7, s2  }
0x1e: {  	s7 =	smul.u32 @!p0 $0xF7A, s2;
	p2 =	seq.s32 @!p0 s5, $0x0  }
0x1f: {  	s9 =	smul.u32 $0xF7A, s1;
	s8 =	simm.s32 @!p0 $0x1BF5;
	p2 =	por !p2, p0  }
0x20: {  	[sflag:s8] =	ssyncset.s32 @!p0 $0xFFFFF086;
	s6 =	sadd.s32 @!p0 s3, s7;
	s7 =	simm.s32 @!p0 $0x108  }
0x21: {  	s3 =	sadd.s32 s3, s9;
	s6 =	sadd.s32 @!p0 $0x88, s6;
	s7 =	simm.s32 @p2 $0x1082  }
0x22: {  	[simem:s7], [sflag:s8] =	dma.local @!p0 [hbm:s6], $0xF7A  }
0x23: {  	s9 =	sor.u32 $0xD0000000, s2;
	s6 =	simm.s32 $0x108;
	_ =	swait.ge @!p0 [sflag:s8], $0x0  }
0x24: {  	s3 =	sadd.s32 $0x88, s3;
	s6 =	simm.s32 @!p1 $0x1082;
	[sflag:s4] =	ssyncset.s32 $0xFFFFF086  }
0x25: {  	[simem:s6], [sflag:s4] =	dma.local [hbm:s3], $0xF7A  }
0x26: {  	[smem:$0x3F99] =	sst s1;
	(tag) =	ssettag s2;
	_ =	strace s9  }
0x27: {  	s1 =	sld [smem:$0x3FA9]  }
0x28: {  	s2 =	sld [smem:$0x3FAA]  }
0x29: {  	s4 =	sld [smem:$0x3FAC]  }
0x2a: {  	p0 =	seq.s32 s5, $0x0;
	s5 =	sld [smem:$0x3FAD]  }
0x2b: {  	s6 =	sld [smem:$0x3FAE]  }
0x2c: {  	s7 =	sld [smem:$0x3FAF]  }
0x2d: {  	s3 =	simm.s32 $0x108;
	s8 =	sld [smem:$0x3FB0]  }
0x2e: {  	s3 =	simm.s32 @!p0 $0x1082;
	s9 =	sld [smem:$0x3FB1]  }
0x2f: {  	lr =	sadd.s32 s0, s3;
	s0 =	sld [smem:$0x3FA8]  }
0x30: {  	s3 =	sld [smem:$0x3FAB]  }
0x31: {  	[smem:$0x3FB4] =	sst s10  }
0x32: {  	s10 =	sld [smem:$0x3FB2];
	_ =	sdelay $0x3  }
0x33: {  	p0 =	seq.s32 s10, $0x1;
	s10 =	sld [smem:$0x3FB4];
	_ =	sdelay $0x3  }
0x34: {  	[smem:$0x3FB4] =	sst s10  }
0x35: {  	s10 =	sld [smem:$0x3FB3];
	_ =	sdelay $0x3  }
0x36: {  	p1 =	seq.s32 s10, $0x1;
	s10 =	sld [smem:$0x3FB4];
	_ =	sdelay $0x3  }
0x37: {  	[smem:$0x3FB4] =	sst s10  }
0x38: {  	s10 =	sld [smem:$0x3FB5]  }
0x39: {  	_ = 	snop;
	(pc) =	sbr.ind lr, $3  }
0x3a: {  	_ = 	snop  }
0x3b: {  	_ = 	snop  }
0x3c: {  	p2 =	seq.s32 s10, $0x1;
	s10 =	sld [smem:$0x3FB4]  }
0x3d: {  	_ =	shalt  }
0x3e: {  	_ =	shalt  }
0x3f: {  	_ =	shalt  }
0x40: {  	_ =	shalt  }
0x41: {  	_ =	shalt  }
0x42: {  	_ =	shalt  }
0x43: {  	_ =	shalt  }
0x44: {  	_ =	shalt  }
0x45: {  	_ =	shalt  }
0x46: {  	_ =	shalt  }
0x47: {  	_ =	shalt  }
0x48: {  	_ =	shalt  }
0x49: {  	_ =	shalt  }
0x4a: {  	_ =	shalt  }
0x4b: {  	_ =	shalt  }
0x4c: {  	_ =	shalt  }
0x4d: {  	_ =	shalt  }
0x4e: {  	_ =	shalt  }
0x4f: {  	_ =	shalt  }
0x50: {  	_ =	shalt  }
0x51: {  	_ =	shalt  }
0x52: {  	_ =	shalt  }
0x53: {  	_ =	shalt  }
0x54: {  	_ =	shalt  }
0x55: {  	_ =	shalt  }
0x56: {  	_ =	shalt  }
0x57: {  	_ =	shalt  }
0x58: {  	_ =	shalt  }
0x59: {  	_ =	shalt  }
0x5a: {  	_ =	shalt  }
0x5b: {  	_ =	shalt  }
0x5c: {  	_ =	shalt  }
0x5d: {  	_ =	shalt  }
0x5e: {  	_ =	shalt  }
0x5f: {  	_ =	shalt  }
0x60: {  	_ =	shalt  }
0x61: {  	_ =	shalt  }
0x62: {  	_ =	shalt  }
0x63: {  	_ =	shalt  }
0x64: {  	_ =	shalt  }
0x65: {  	_ =	shalt  }
0x66: {  	_ =	shalt  }
0x67: {  	_ =	shalt  }
0x68: {  	_ =	shalt  }
0x69: {  	_ =	shalt  }
0x6a: {  	_ =	shalt  }
0x6b: {  	_ =	shalt  }
0x6c: {  	_ =	shalt  }
0x6d: {  	_ =	shalt  }
0x6e: {  	_ =	shalt  }
0x6f: {  	_ =	shalt  }
0x70: {  	_ =	shalt  }
0x71: {  	_ =	shalt  }
0x72: {  	_ =	shalt  }
0x73: {  	_ =	shalt  }
0x74: {  	_ =	shalt  }
0x75: {  	_ =	shalt  }
0x76: {  	_ =	shalt  }
0x77: {  	_ =	shalt  }
0x78: {  	_ =	shalt  }
0x79: {  	_ =	shalt  }
0x7a: {  	_ =	shalt  }
0x7b: {  	_ =	shalt  }
0x7c: {  	_ =	shalt  }
0x7d: {  	_ =	shalt  }
0x7e: {  	_ =	shalt  }
0x7f: {  	_ =	shalt  }
0x80: {  	_ =	shalt  }
0x81: {  	_ =	shalt  }
0x82: {  	_ =	shalt  }
0x83: {  	_ =	shalt  }
0x84: {  	_ =	shalt  }
0x85: {  	_ =	shalt  }
0x86: {  	_ =	shalt  }
0x87: {  	_ =	shalt  }
.Lfunc_end0:
.L_simem_size_0:
called_computation.2_lowered:
.L_overlay_start_0:
0x88: {  	s2 =	sld [smem:$0x3FD9]  }
0x89: {  	s3 =	sld [smem:$0x3FFE];
	_ =	sdelay $0x1  }
0x8a: {  	s1 =	srdreg.scid  }
0x8b: {  	s0 =	sand.u32 $0x1, s1  }
0x8c: {  	s17 =	sshll.u32 s0, $0xA;
	s2 =	sadd.s32 s3, s2  }
0x8d: {  	s2 =	sadd.s32 s2, s17  }
0x8e: {  	[smem:$0x3FC0] =	sst s2  }
0x8f: {  	_ = 	snop  }
0x90: {  	s2 =	sld [smem:$0x3FD0];
	(tm) =	ssettm $0x1  }
0x91: {  	s18 =	sld [smem:$0x3FFB];
	_ =	sdelay $0x3  }
0x92: {  	_ =	strace s18  }
0x93: {  	s3 =	sld [smem:$0x3FFC];
	_ =	sdelay $0x3  }
0x94: {  	_ =	strace s3  }
0x95: {  	s3 =	sld [smem:$0x3FFD];
	_ =	sdelay $0x3  }
0x96: {  	_ =	strace s3  }
0x97: {  	_ =	strace $0x8FFFFFFF  }
0x98: {  	s19 =	sld [smem:$0x3FDB];
	_ =	sdelay $0x1  }
0x99: {  	s4 =	simm.s32 $_scs_section_size  }
0x9a: {  	s5 =	simm.s32 $_size__tile_overlayer_lowered;
	s6 =	simm.s32 $_tile_overlayer_lowered  }
0x9b: {  	s22 =	simm.s32 $0x1BFF;
	s21 =	sshll.u32 s6, $0x1;
	s3 =	sadd.s32 s4, s19  }
0x9c: {  	s7 =	simm.s32 $0x0;
	s20 =	sshll.u32 s5, $0x1;
	s5 =	sadd.s32 s21, s3  }
0x9d: {  	[timem:s7], [sflag:s22] =	dma.local [hbm:s5], s20  }
0x9e: {  	_ =	swait.ge [sflag:s22], s20  }
0x9f: {  	s4 =	ssub.s32 $0x0, s20;
	[sflag:s22] =	ssyncset.done $0x0  }
0xa0: {  	[sflag:s22] =	ssyncadd.s32 s4;
	_ =	sdelay $0x1  }
0xa1: {  	s23 =	simm.s32 $0x1B8B  }
0xa2: {  	_ =	swait.ge [sflag:s23], $0x1  }
0xa3: {  	[sflag:s23] =	ssyncset.done $0x0  }
0xa4: {  	s25 =	simm.s32 $0x1B8E;
	s24 =	sld [smem:$0x3FFE];
	[sflag:s23] =	ssyncadd.s32 $0xFFFFFFFF  }
0xa5: {  	s26 =	simm.s32 $execute0_lowered;
	[smem:$0x3FD2] =	sst s25  }
0xa6: {  	s5 =	sshll.u32 s26, $0x1;
	_ =	strace $0x8000004C;
	[dreg:$0x1] =	wrdreg $0xFFFFFFFF  }
0xa7: {  	s28 =	simm.s32 $_size_execute0_lowered;
	s3 =	sadd.s32 s3, s5;
	[dreg:$0x0] =	wrdreg $0x0  }
0xa8: {  	s5 =	sshll.u32 s28, $0x1;
	[dreg:$0x2] =	wrdreg s3  }
0xa9: {  	[dreg:$0x3] =	wrdreg s5  }
0xaa: {  	[dreg:$0x4] =	wrdreg $0xC0  }
0xab: {  	_ =	task [dreg:s7], $0x5FFFF  }
0xac: {  	[dreg:$0x1] =	wrdreg $0xFFFFFFFF  }
0xad: {  	[dreg:$0x0] =	wrdreg $0x60  }
0xae: {  	[dreg:$0x2] =	wrdreg s24  }
0xaf: {  	[dreg:$0x3] =	wrdreg s2  }
0xb0: {  	[dreg:$0x4] =	wrdreg $0x90000  }
0xb1: {  	[dreg:$0x5] =	wrdreg $0x9  }
0xb2: {  	_ =	task.clear_ibuf [dreg:s7], $0x6FFFF;
	_ =	strace $0x9000004C  }
0xb3: {  	s29 =	simm.s32 $0x9;
	_ =	strace $0x8000004E  }
0xb4: {  	_ =	swait.ge [sflag:s29], $0x1  }
0xb5: {  	[sflag:s29] =	ssyncadd.s32 $0xFFFFFFFF  }
0xb6: {  	_ =	strace $0x9000004E  }
0xb7: {  	_ =	sfence  }
0xb8: {  	s30 =	sld [smem:$0x0];
	_ =	sdelay $0x2  }
0xb9: {  	s31 =	sshll.u32 s1, $0xD;
	s1 =	sshrl.u32 s1, $0x2  }
0xba: {  	s3 =	sand.u32 $0x4000, s31;
	s1 =	sadd.s32 s1, s30  }
0xbb: {  	s0 =	sor.u32 s3, s0;
	s1 =	sshll.u32 s1, $0x11  }
0xbc: {  	s0 =	sor.u32 s1, s0  }
0xbd: {  	s0 =	sadd.s32 $0x8F2B, s0  }
0xbe: {  	[sflag:s0] =	ssyncadd.remote.s32 $0x1  }
0xbf: {  	_ =	sfence.sel $0xFFFF  }
0xc0: {  	[dreg:$0x0] =	wrdreg $0xFFFFFFFF;
	(pc) =	sbr.abs _section_cstart, $3  }
0xc1: {  	[dreg:$0x1] =	wrdreg $0xFFFFFFFF  }
0xc2: {  	_ =	task.clear_ibuf [dreg:s7], $0x2FFFF;
	_ =	strace $0x9FFFFFFF  }
0xc3: {  	(tm) =	ssettm $0x7FFFFFFF  }
tec
execute0_lowered:
.L_overlay_start_1:
0x0: {  	(tag) =	ssettag $0x1  }
0x1: {  	s0 =	rddreg [dreg:$0x0];
	s1 =	srdreg.scid  }
0x2: {  	s3 =	rddreg [dreg:$0x2];
	s31 =	stileid.u32;
	s4 =	simm.s32 $0x0  }
0x3: {  	s22 =	simm.s32 $0x80;
	s23 =	simm.s32 $0x7000;
	s24 =	simm.s32 $0x1  }
0x4: {  	s25 =	simm.s32 $0x2;
	s26 =	simm.s32 $0x2780;
	s28 =	simm.s32 $0x4F00  }
0x5: {  	s29 =	simm.s32 $0x4F80;
	s30 =	simm.s32 $0x0;
	s8 =	sand.u32 $0x1, s1  }
0x6: {  	[smem:$0x7FF] =	sst s4;
	s11 =	smul.u32 $0xA000, s31;
	s5 =	sshll.u32 s8, $0x4  }
0x7: {  	_ =	strace $0x8000004D;
	s6 =	ssub.s32 $0x2, s8;
	s17 =	smul.u32 $0xA0000, s8  }
0x8: {  	s5 =	sor.u32 s31, s5;
	s7 =	sshrl.u32 s6, $0x1;
	s13 =	sadd.s32 $0x2000, s11  }
0x9: {  	s15 =	sadd.s32 $0x4000, s11;
	s16 =	sadd.s32 $0x6000, s11;
	s19 =	sadd.s32 $0x8000, s11  }
0xa: {  	s5 =	smul.u32 $0x500, s5;
	s18 =	ssub.s32 s6, s7;
	s6 =	sadd.s32 s11, s3  }
0xb: {  	s7 =	sadd.s32 s13, s3;
	s8 =	sadd.s32 s15, s3;
	s9 =	sadd.s32 s16, s3  }
0xc: {  	s10 =	sadd.s32 s19, s3;
	s14 =	sadd.s32 s11, s17;
	s13 =	sadd.s32 s17, s13  }
0xd: {  	s15 =	sadd.s32 s17, s15;
	s16 =	sadd.s32 s17, s16;
	s17 =	sadd.s32 s17, s19  }
0xe: {  	s19 =	simm.s32 $0x5000;
	s14 =	sshrl.u32 s14, $0x3;
	s20 =	sshrl.u32 s13, $0x3  }
0xf: {  	s15 =	sshrl.u32 s15, $0x3;
	s16 =	sshrl.u32 s16, $0x3;
	s17 =	sshrl.u32 s17, $0x3  }
0x10: {  	s18 =	smax.u32 s18, $0x1;
	s12 =	sadd.s32 s5, s0;
	s5 =	sadd.s32 $0x16A00, s0  }
0x11: {  	s0 =	sadd.s32 $0x2AA00, s0;
	s11 =	sadd.s32 $0x2A00, s12;
	s12 =	sadd.s32 $0xCA00, s12  }
0x12: {  	s13 =	sadd.s32 s0, s14;
	s14 =	sadd.s32 s0, s20;
	s15 =	sadd.s32 s0, s15  }
0x13: {  	s16 =	sadd.s32 s0, s16;
	s17 =	sadd.s32 s0, s17;
	s20 =	simm.s32 $0x3  }
.LBB2_1:
0x14: {  	s0 =	rddreg [dreg:$0x1]  }
0x15: {  	[tilespmem:s19], [sflag:$0x3] =	stream.linear.gather [hbm4b:s0+s4], $0x2000, $0x38;
	[tilespmem:$0x13000] =	vst v63  }
0x16: {  	_ =	swait.ge [sflag:s20], $0x2000  }
0x17: {  	[sflag:s20] =	ssyncset.done $0x0  }
0x18: {  	[sflag:s20] =	ssyncadd.s32 $0xFFFFE000  }
0x19: {  	[spmem:s6] =	stream.linear.scatter [tilespmem:s19], [sflag:$0x3], $0x2000, $0x38;
	[tilespmem:$0x13000] =	vst v63  }
0x1a: {  	_ =	swait.ge [sflag:s20], $0x2000  }
0x1b: {  	[sflag:s20] =	ssyncset.done $0x0  }
0x1c: {  	[sflag:s20] =	ssyncadd.s32 $0xFFFFE000  }
0x1d: {  	[spmem:s7] =	stream.linear.scatter [tilespmem:s19], [sflag:$0x3], $0x2000, $0x38;
	[tilespmem:$0x13000] =	vst v63  }
0x1e: {  	_ =	swait.ge [sflag:s20], $0x2000  }
0x1f: {  	[sflag:s20] =	ssyncset.done $0x0  }
0x20: {  	[sflag:s20] =	ssyncadd.s32 $0xFFFFE000  }
0x21: {  	[spmem:s8] =	stream.linear.scatter [tilespmem:s19], [sflag:$0x3], $0x2000, $0x38;
	[tilespmem:$0x13000] =	vst v63  }
0x22: {  	_ =	swait.ge [sflag:s20], $0x2000  }
0x23: {  	[sflag:s20] =	ssyncset.done $0x0  }
0x24: {  	[sflag:s20] =	ssyncadd.s32 $0xFFFFE000  }
0x25: {  	[spmem:s9] =	stream.linear.scatter [tilespmem:s19], [sflag:$0x3], $0x2000, $0x38;
	[tilespmem:$0x13000] =	vst v63  }
0x26: {  	_ =	swait.ge [sflag:s20], $0x2000  }
0x27: {  	[sflag:s20] =	ssyncset.done $0x0  }
0x28: {  	[sflag:s20] =	ssyncadd.s32 $0xFFFFE000  }
0x29: {  	[spmem:s10] =	stream.linear.scatter [tilespmem:s19], [sflag:$0x3], $0x2000, $0x38;
	[tilespmem:$0x13000] =	vst v63  }
0x2a: {  	_ =	swait.ge [sflag:s20], $0x2000  }
0x2b: {  	[sflag:s20] =	ssyncset.done $0x0  }
0x2c: {  	s2 =	simm.s32 $0x2800;
	[sflag:s20] =	ssyncadd.s32 $0xFFFFE000  }
0x2d: {  	[tilespmem:s2], [sflag:$0x3] =	stream.linear.gather [hbm4b:s11+s4], $0x2800, $0x38;
	[tilespmem:$0x13000] =	vst v63  }
0x2e: {  	_ =	swait.ge [sflag:s20], $0x2800  }
0x2f: {  	[sflag:s20] =	ssyncset.done $0x0  }
0x30: {  	[sflag:s20] =	ssyncadd.s32 $0xFFFFD800  }
0x31: {  	[bflag:$0x0] =	sbarrier.arrive $0xFFFF  }
0x32: {  	[tilespmem:s4], [sflag:$0x3] =	stream.linear.gather [hbm4b:s12+s4], $0x2800, $0x38;
	[tilespmem:$0x13000] =	vst v63  }
0x33: {  	_ =	swait.ge [sflag:s20], $0x2800  }
0x34: {  	[sflag:s20] =	ssyncset.done $0x0  }
0x35: {  	[sflag:s20] =	ssyncadd.s32 $0xFFFFD800  }
0x36: {  	[tilespmem:s19], [sflag:$0x1] =	stream.indirect.gather [hbm4b:s5+s22], $0x40, s4, s22, $0xb8;
	[tilespmem:$0x13000] =	vst v63  }
0x37: {  	s21 =	simm.s32 $0x80  }
0x38: {  	[tilespmem:s23], [sflag:$0x2] =	stream.indirect.gather [hbm4b:s5+s22], $0x40, s21, s22, $0xb8;
	[tilespmem:$0x13000] =	vst v63  }
0x39: {  	_ =	swait.ge [sflag:s24], $0x2000  }
0x3a: {  	[sflag:s24] =	ssyncset.done $0x0  }
0x3b: {  	s1 =	simm.s32 $0x2800;
	[sflag:s24] =	ssyncadd.s32 $0xFFFFE000  }
0x3c: {  	[spmem:s3] =	stream.indirect.scatter.add.f32 [tilespmem:s19], [sflag:$0x3], $0x40, s1, s22, $0xb8;
	[tilespmem:$0x13000] =	vst v63  }
0x3d: {  	_ =	swait.ge [sflag:s20], $0x2000  }
0x3e: {  	[sflag:s20] =	ssyncset.done $0x0  }
0x3f: {  	s2 =	simm.s32 $0x100;
	[sflag:s20] =	ssyncadd.s32 $0xFFFFE000  }
0x40: {  	[tilespmem:s19], [sflag:$0x1] =	stream.indirect.gather [hbm4b:s5+s22], $0x40, s2, s22, $0xb8;
	[tilespmem:$0x13000] =	vst v63  }
0x41: {  	_ =	swait.ge [sflag:s25], $0x2000  }
0x42: {  	[sflag:s25] =	ssyncset.done $0x0  }
0x43: {  	s21 =	simm.s32 $0x2880;
	[sflag:s25] =	ssyncadd.s32 $0xFFFFE000  }
0x44: {  	[spmem:s3] =	stream.indirect.scatter.add.f32 [tilespmem:s23], [sflag:$0x3], $0x40, s21, s22, $0xb8;
	[tilespmem:$0x13000] =	vst v63  }
0x45: {  	_ =	swait.ge [sflag:s20], $0x2000  }
0x46: {  	s31 =	simm.s32 $0x100;
	s0 =	simm.s32 $0x800;
	[sflag:s20] =	ssyncset.done $0x0  }
.LBB2_2:
0x47: {  	s1 =	sadd.s32 $0x80, s31  }
0x48: {  	[sflag:s20] =	ssyncadd.s32 $0xFFFFE000;
	s2 =	smov.u32 s0;
	s21 =	sadd.s32 $0x400, s0  }
0x49: {  	[tilespmem:s23], [sflag:$0x2] =	stream.indirect.gather [hbm4b:s5+s22], $0x40, s1, s22, $0xb8;
	[tilespmem:$0x13000] =	vst v63  }
0x4a: {  	p0 =	sne.s32 s0, $0x9800;
	_ =	swait.ge [sflag:s24], $0x2000  }
0x4b: {  	[sflag:s24] =	ssyncset.done $0x0  }
0x4c: {  	s0 =	sadd.s32 $0x2800, s31;
	[sflag:s24] =	ssyncadd.s32 $0xFFFFE000  }
0x4d: {  	[spmem:s3] =	stream.indirect.scatter.add.f32 [tilespmem:s19], [sflag:$0x3], $0x40, s0, s22, $0xb8;
	[tilespmem:$0x13000] =	vst v63  }
0x4e: {  	_ =	swait.ge [sflag:s20], $0x2000  }
0x4f: {  	[sflag:s20] =	ssyncset.done $0x0  }
0x50: {  	s0 =	sadd.s32 $0x100, s31;
	[sflag:s20] =	ssyncadd.s32 $0xFFFFE000  }
0x51: {  	[tilespmem:s19], [sflag:$0x1] =	stream.indirect.gather [hbm4b:s5+s22], $0x40, s0, s22, $0xb8;
	[tilespmem:$0x13000] =	vst v63  }
0x52: {  	_ =	swait.ge [sflag:s25], $0x2000  }
.Ltmp0:
0x53: {  	[sflag:s25] =	ssyncset.done $0x0;
	(pc) =	sbr.rel @p0 .LBB2_2-.Ltmp0, $4  }
0x54: {  	s0 =	sadd.s32 $0x2880, s31;
	[sflag:s25] =	ssyncadd.s32 $0xFFFFE000  }
0x55: {  	[spmem:s3] =	stream.indirect.scatter.add.f32 [tilespmem:s23], [sflag:$0x3], $0x40, s0, s22, $0xb8;
	[tilespmem:$0x13000] =	vst v63  }
0x56: {  	_ =	swait.ge [sflag:s20], $0x2000  }
0x57: {  	s31 =	sshra.s32 s2, $0x2;
	s0 =	smov.u32 s21;
	[sflag:s20] =	ssyncset.done $0x0  }
0x58: {  	s0 =	sadd.s32 $0x80, s31;
	[sflag:s20] =	ssyncadd.s32 $0xFFFFE000  }
0x59: {  	[tilespmem:s23], [sflag:$0x2] =	stream.indirect.gather [hbm4b:s5+s22], $0x40, s0, s22, $0xb8;
	[tilespmem:$0x13000] =	vst v63  }
0x5a: {  	_ =	swait.ge [sflag:s24], $0x2000  }
0x5b: {  	[sflag:s24] =	ssyncset.done $0x0  }
0x5c: {  	s2 =	sadd.s32 $0x2800, s31;
	[sflag:s24] =	ssyncadd.s32 $0xFFFFE000  }
0x5d: {  	[spmem:s3] =	stream.indirect.scatter.add.f32 [tilespmem:s19], [sflag:$0x3], $0x40, s2, s22, $0xb8;
	[tilespmem:$0x13000] =	vst v63  }
0x5e: {  	_ =	swait.ge [sflag:s20], $0x2000  }
0x5f: {  	[sflag:s20] =	ssyncset.done $0x0  }
0x60: {  	s21 =	sadd.s32 $0x100, s31;
	[sflag:s20] =	ssyncadd.s32 $0xFFFFE000  }
0x61: {  	[tilespmem:s19], [sflag:$0x1] =	stream.indirect.gather [hbm4b:s5+s22], $0x40, s21, s22, $0xb8;
	[tilespmem:$0x13000] =	vst v63  }
0x62: {  	_ =	swait.ge [sflag:s25], $0x2000  }
0x63: {  	[sflag:s25] =	ssyncset.done $0x0  }
0x64: {  	s31 =	sadd.s32 $0x2880, s31;
	[sflag:s25] =	ssyncadd.s32 $0xFFFFE000  }
0x65: {  	[spmem:s3] =	stream.indirect.scatter.add.f32 [tilespmem:s23], [sflag:$0x3], $0x40, s31, s22, $0xb8;
	[tilespmem:$0x13000] =	vst v63  }
0x66: {  	_ =	swait.ge [sflag:s20], $0x2000  }
0x67: {  	[sflag:s20] =	ssyncset.done $0x0  }
0x68: {  	[sflag:s20] =	ssyncadd.s32 $0xFFFFE000  }
0x69: {  	[tilespmem:s23], [sflag:$0x2] =	stream.indirect.gather [hbm4b:s5+s22], $0x40, s26, s22, $0xb8;
	[tilespmem:$0x13000] =	vst v63  }
0x6a: {  	_ =	swait.ge [sflag:s24], $0x2000  }
0x6b: {  	[sflag:s24] =	ssyncset.done $0x0  }
0x6c: {  	[sflag:s24] =	ssyncadd.s32 $0xFFFFE000  }
0x6d: {  	[spmem:s3] =	stream.indirect.scatter.add.f32 [tilespmem:s19], [sflag:$0x3], $0x40, s28, s22, $0xb8;
	[tilespmem:$0x13000] =	vst v63  }
0x6e: {  	_ =	swait.ge [sflag:s20], $0x2000  }
0x6f: {  	[sflag:s20] =	ssyncset.done $0x0  }
0x70: {  	[sflag:s20] =	ssyncadd.s32 $0xFFFFE000  }
0x71: {  	_ =	swait.ge [sflag:s25], $0x2000  }
0x72: {  	[sflag:s25] =	ssyncset.done $0x0  }
0x73: {  	[sflag:s25] =	ssyncadd.s32 $0xFFFFE000  }
0x74: {  	[spmem:s3] =	stream.indirect.scatter.add.f32 [tilespmem:s23], [sflag:$0x3], $0x40, s29, s22, $0xb8;
	[tilespmem:$0x13000] =	vst v63  }
0x75: {  	_ =	swait.ge [sflag:s20], $0x2000  }
0x76: {  	[sflag:s20] =	ssyncset.done $0x0  }
0x77: {  	[sflag:s20] =	ssyncadd.s32 $0xFFFFE000  }
0x78: {  	[bflag:$0x0] =	sbarrier.arrive $0xFFFF  }
0x79: {  	[tilespmem:s19], [sflag:$0x3] =	stream.linear.gather [spmem:s6], $0x2000, $0x38;
	[tilespmem:$0x13000] =	vst v63  }
0x7a: {  	_ =	swait.ge [sflag:s20], $0x2000  }
0x7b: {  	[sflag:s20] =	ssyncset.done $0x0  }
0x7c: {  	[sflag:s20] =	ssyncadd.s32 $0xFFFFE000  }
0x7d: {  	[hbm4b:s13+s4] =	stream.linear.scatter [tilespmem:s19], [sflag:$0x3], $0x2000, $0x38;
	[tilespmem:$0x13000] =	vst v63  }
0x7e: {  	_ =	swait.ge [sflag:s20], $0x2000  }
0x7f: {  	[sflag:s20] =	ssyncset.done $0x0  }
0x80: {  	[sflag:s20] =	ssyncadd.s32 $0xFFFFE000  }
0x81: {  	[tilespmem:s19], [sflag:$0x3] =	stream.linear.gather [spmem:s7], $0x2000, $0x38;
	[tilespmem:$0x13000] =	vst v63  }
0x82: {  	_ =	swait.ge [sflag:s20], $0x2000  }
0x83: {  	[sflag:s20] =	ssyncset.done $0x0  }
0x84: {  	[sflag:s20] =	ssyncadd.s32 $0xFFFFE000  }
0x85: {  	[hbm4b:s14+s4] =	stream.linear.scatter [tilespmem:s19], [sflag:$0x3], $0x2000, $0x38;
	[tilespmem:$0x13000] =	vst v63  }
0x86: {  	_ =	swait.ge [sflag:s20], $0x2000  }
0x87: {  	[sflag:s20] =	ssyncset.done $0x0  }
0x88: {  	[sflag:s20] =	ssyncadd.s32 $0xFFFFE000  }
0x89: {  	[tilespmem:s19], [sflag:$0x3] =	stream.linear.gather [spmem:s8], $0x2000, $0x38;
	[tilespmem:$0x13000] =	vst v63  }
0x8a: {  	_ =	swait.ge [sflag:s20], $0x2000  }
0x8b: {  	[sflag:s20] =	ssyncset.done $0x0  }
0x8c: {  	[sflag:s20] =	ssyncadd.s32 $0xFFFFE000  }
0x8d: {  	[hbm4b:s15+s4] =	stream.linear.scatter [tilespmem:s19], [sflag:$0x3], $0x2000, $0x38;
	[tilespmem:$0x13000] =	vst v63  }
0x8e: {  	_ =	swait.ge [sflag:s20], $0x2000  }
0x8f: {  	[sflag:s20] =	ssyncset.done $0x0  }
0x90: {  	[sflag:s20] =	ssyncadd.s32 $0xFFFFE000  }
0x91: {  	[tilespmem:s19], [sflag:$0x3] =	stream.linear.gather [spmem:s9], $0x2000, $0x38;
	[tilespmem:$0x13000] =	vst v63  }
0x92: {  	_ =	swait.ge [sflag:s20], $0x2000  }
0x93: {  	[sflag:s20] =	ssyncset.done $0x0  }
0x94: {  	[sflag:s20] =	ssyncadd.s32 $0xFFFFE000  }
0x95: {  	[hbm4b:s16+s4] =	stream.linear.scatter [tilespmem:s19], [sflag:$0x3], $0x2000, $0x38;
	[tilespmem:$0x13000] =	vst v63  }
0x96: {  	_ =	swait.ge [sflag:s20], $0x2000  }
0x97: {  	[sflag:s20] =	ssyncset.done $0x0  }
0x98: {  	[sflag:s20] =	ssyncadd.s32 $0xFFFFE000  }
0x99: {  	[tilespmem:s19], [sflag:$0x3] =	stream.linear.gather [spmem:s10], $0x2000, $0x38;
	[tilespmem:$0x13000] =	vst v63  }
0x9a: {  	s30 =	sadd.s32 $0x1, s30;
	_ =	swait.ge [sflag:s20], $0x2000  }
0x9b: {  	p0 =	sne.s32 s30, s18;
	[sflag:s20] =	ssyncset.done $0x0  }
.Ltmp1:
0x9c: {  	[sflag:s20] =	ssyncadd.s32 $0xFFFFE000;
	(pc) =	sbr.rel @p0 .LBB2_1-.Ltmp1, $4  }
0x9d: {  	[hbm4b:s17+s4] =	stream.linear.scatter [tilespmem:s19], [sflag:$0x3], $0x2000, $0x38;
	[tilespmem:$0x13000] =	vst v63  }
0x9e: {  	_ =	swait.ge [sflag:s20], $0x2000  }
0x9f: {  	[sflag:s20] =	ssyncset.done $0x0  }
0xa0: {  	[sflag:s20] =	ssyncadd.s32 $0xFFFFE000  }
0xa1: {  	_ =	sfence.sel $0x180000  }
0xa2: {  	[bflag:$0x0] =	sbarrier.arrive $0xFFFF  }
0xa3: {  	_ =	strace $0x9000004D  }
0xa4: {  	s0 =	stileid.u32;
	[bflag:$0x2] =	sbarrier.arrive $0xFFFF  }
0xa5: {  	p0 =	sne.s32 s0, $0x0;
	s0 =	rddreg [dreg:$0x3]  }
0xa6: {  	s0 =	sadd.s32 @!p0 $0x100000, s0  }
0xa7: {  	[sflag:s0] =	ssyncadd.tile.s32 @!p0 $0x1;
	_ =	shalt  }
.Lfunc_end2:
_tile_overlayer_lowered:
.L_overlay_start_2:
0xa8: {  	(tag) =	ssettag $0x2  }
0xa9: {  	s0 =	rddreg [dreg:$0x0];
	s2 =	stileid.u32  }
0xaa: {  	s1 =	rddreg [dreg:$0x1];
	p0 =	sne.s32 s2, $0x0  }
0xab: {  	s3 =	rddreg [dreg:$0x2];
	[bflag:$0x3] =	sbarrier.arrive $0xFFFF;
	s2 =	simm.s32 @!p0 $0x1C03  }
0xac: {  	[timem:s3], [sflag:s2] =	dma.local @!p0 [hbm:s0], s1  }
0xad: {  	s0 =	simm.s32 @!p0 $0x3  }
0xae: {  	_ =	swait.ge @!p0 [sflag:s0], s1  }
0xaf: {  	s1 =	ssub.s32 @!p0 $0x0, s1;
	[sflag:s0] =	ssyncset.done @!p0 $0x0  }
0xb0: {  	[sflag:s0] =	ssyncadd.s32 @!p0 s1  }
0xb1: {  	[bflag:$0x3] =	sbarrier.arrive $0xFFFF  }
0xb2: {  	_ =	shalt  }

// kernel: kernel.8.cloned.1.call-start
scs
__scs_entry_jumppad:
0x0: {  	(pc) =	sbr.rel $0x88, $3  }
0x1: {  	(tag) =	ssettag $0x0;
	lr =	simm.s32 $0x1  }
0x2: {  	[smem:$0x3F99] =	sst lr;
	_ =	strace $0xD0000000  }
0x3: {  	_ = 	snop  }
0x4: {  	_ = 	snop  }
0x5: {  	_ = 	snop  }
0x6: {  	_ = 	snop  }
0x7: {  	_ = 	snop  }
__scs_overlays_trampoline_lowered:
0x8: {  	[smem:$0x3FA8] =	sst s0  }
0x9: {  	[smem:$0x3FA9] =	sst s1  }
0xa: {  	[smem:$0x3FAA] =	sst s2  }
0xb: {  	[smem:$0x3FAB] =	sst s3  }
0xc: {  	[smem:$0x3FAC] =	sst s4  }
0xd: {  	[smem:$0x3FAD] =	sst s5  }
0xe: {  	[smem:$0x3FAE] =	sst s6  }
0xf: {  	[smem:$0x3FAF] =	sst s7  }
0x10: {  	[smem:$0x3FB0] =	sst s8  }
0x11: {  	[smem:$0x3FB1] =	sst s9;
	s0 =	simm.s32 @!p0 $0x0  }
0x12: {  	s1 =	sld [smem:$0x3F97];
	s0 =	simm.s32 @p0 $0x1  }
0x13: {  	[smem:$0x3FB2] =	sst s0;
	s0 =	simm.s32 @!p1 $0x0  }
0x14: {  	s2 =	sld [smem:$0x3F96];
	s0 =	simm.s32 @p1 $0x1  }
0x15: {  	[smem:$0x3FB3] =	sst s0;
	s0 =	simm.s32 @!p2 $0x0  }
0x16: {  	s3 =	sld [smem:$0x3FDB];
	s0 =	simm.s32 @p2 $0x1  }
0x17: {  	s4 =	simm.s32 $0x1BF5;
	[smem:$0x3FB5] =	sst s0  }
0x18: {  	s0 =	sld [smem:$0x3F98];
	_ =	swait.ge [sflag:s4], $0x0  }
0x19: {  	s7 =	sld [smem:$0x3F99]  }
0x1a: {  	s8 =	sadd.s32 $0xFFFFE003, lr  }
0x1b: {  	s9 =	sadd.s32 $0xFFFFFEF7, lr;
	s5 =	simm.s32 $0xFFFFFFFF;
	p2 =	slt.u32 s8, $0xFFFFF086  }
0x1c: {  	p1 =	slt.u32 s9, $0xF7A;
	s5 =	simm.s32 @!p2 $0x0  }
0x1d: {  	s5 =	simm.s32 @p1 $0x1;
	p0 =	seq.s32 s7, s2  }
0x1e: {  	s7 =	smul.u32 @!p0 $0xF7A, s2;
	p2 =	seq.s32 @!p0 s5, $0x0  }
0x1f: {  	s9 =	smul.u32 $0xF7A, s1;
	s8 =	simm.s32 @!p0 $0x1BF5;
	p2 =	por !p2, p0  }
0x20: {  	[sflag:s8] =	ssyncset.s32 @!p0 $0xFFFFF086;
	s6 =	sadd.s32 @!p0 s3, s7;
	s7 =	simm.s32 @!p0 $0x108  }
0x21: {  	s3 =	sadd.s32 s3, s9;
	s6 =	sadd.s32 @!p0 $0x88, s6;
	s7 =	simm.s32 @p2 $0x1082  }
0x22: {  	[simem:s7], [sflag:s8] =	dma.local @!p0 [hbm:s6], $0xF7A  }
0x23: {  	s9 =	sor.u32 $0xD0000000, s2;
	s6 =	simm.s32 $0x108;
	_ =	swait.ge @!p0 [sflag:s8], $0x0  }
0x24: {  	s3 =	sadd.s32 $0x88, s3;
	s6 =	simm.s32 @!p1 $0x1082;
	[sflag:s4] =	ssyncset.s32 $0xFFFFF086  }
0x25: {  	[simem:s6], [sflag:s4] =	dma.local [hbm:s3], $0xF7A  }
0x26: {  	[smem:$0x3F99] =	sst s1;
	(tag) =	ssettag s2;
	_ =	strace s9  }
0x27: {  	s1 =	sld [smem:$0x3FA9]  }
0x28: {  	s2 =	sld [smem:$0x3FAA]  }
0x29: {  	s4 =	sld [smem:$0x3FAC]  }
0x2a: {  	p0 =	seq.s32 s5, $0x0;
	s5 =	sld [smem:$0x3FAD]  }
0x2b: {  	s6 =	sld [smem:$0x3FAE]  }
0x2c: {  	s7 =	sld [smem:$0x3FAF]  }
0x2d: {  	s3 =	simm.s32 $0x108;
	s8 =	sld [smem:$0x3FB0]  }
0x2e: {  	s3 =	simm.s32 @!p0 $0x1082;
	s9 =	sld [smem:$0x3FB1]  }
0x2f: {  	lr =	sadd.s32 s0, s3;
	s0 =	sld [smem:$0x3FA8]  }
0x30: {  	s3 =	sld [smem:$0x3FAB]  }
0x31: {  	[smem:$0x3FB4] =	sst s10  }
0x32: {  	s10 =	sld [smem:$0x3FB2];
	_ =	sdelay $0x3  }
0x33: {  	p0 =	seq.s32 s10, $0x1;
	s10 =	sld [smem:$0x3FB4];
	_ =	sdelay $0x3  }
0x34: {  	[smem:$0x3FB4] =	sst s10  }
0x35: {  	s10 =	sld [smem:$0x3FB3];
	_ =	sdelay $0x3  }
0x36: {  	p1 =	seq.s32 s10, $0x1;
	s10 =	sld [smem:$0x3FB4];
	_ =	sdelay $0x3  }
0x37: {  	[smem:$0x3FB4] =	sst s10  }
0x38: {  	s10 =	sld [smem:$0x3FB5]  }
0x39: {  	_ = 	snop;
	(pc) =	sbr.ind lr, $3  }
0x3a: {  	_ = 	snop  }
0x3b: {  	_ = 	snop  }
0x3c: {  	p2 =	seq.s32 s10, $0x1;
	s10 =	sld [smem:$0x3FB4]  }
0x3d: {  	_ =	shalt  }
0x3e: {  	_ =	shalt  }
0x3f: {  	_ =	shalt  }
0x40: {  	_ =	shalt  }
0x41: {  	_ =	shalt  }
0x42: {  	_ =	shalt  }
0x43: {  	_ =	shalt  }
0x44: {  	_ =	shalt  }
0x45: {  	_ =	shalt  }
0x46: {  	_ =	shalt  }
0x47: {  	_ =	shalt  }
0x48: {  	_ =	shalt  }
0x49: {  	_ =	shalt  }
0x4a: {  	_ =	shalt  }
0x4b: {  	_ =	shalt  }
0x4c: {  	_ =	shalt  }
0x4d: {  	_ =	shalt  }
0x4e: {  	_ =	shalt  }
0x4f: {  	_ =	shalt  }
0x50: {  	_ =	shalt  }
0x51: {  	_ =	shalt  }
0x52: {  	_ =	shalt  }
0x53: {  	_ =	shalt  }
0x54: {  	_ =	shalt  }
0x55: {  	_ =	shalt  }
0x56: {  	_ =	shalt  }
0x57: {  	_ =	shalt  }
0x58: {  	_ =	shalt  }
0x59: {  	_ =	shalt  }
0x5a: {  	_ =	shalt  }
0x5b: {  	_ =	shalt  }
0x5c: {  	_ =	shalt  }
0x5d: {  	_ =	shalt  }
0x5e: {  	_ =	shalt  }
0x5f: {  	_ =	shalt  }
0x60: {  	_ =	shalt  }
0x61: {  	_ =	shalt  }
0x62: {  	_ =	shalt  }
0x63: {  	_ =	shalt  }
0x64: {  	_ =	shalt  }
0x65: {  	_ =	shalt  }
0x66: {  	_ =	shalt  }
0x67: {  	_ =	shalt  }
0x68: {  	_ =	shalt  }
0x69: {  	_ =	shalt  }
0x6a: {  	_ =	shalt  }
0x6b: {  	_ =	shalt  }
0x6c: {  	_ =	shalt  }
0x6d: {  	_ =	shalt  }
0x6e: {  	_ =	shalt  }
0x6f: {  	_ =	shalt  }
0x70: {  	_ =	shalt  }
0x71: {  	_ =	shalt  }
0x72: {  	_ =	shalt  }
0x73: {  	_ =	shalt  }
0x74: {  	_ =	shalt  }
0x75: {  	_ =	shalt  }
0x76: {  	_ =	shalt  }
0x77: {  	_ =	shalt  }
0x78: {  	_ =	shalt  }
0x79: {  	_ =	shalt  }
0x7a: {  	_ =	shalt  }
0x7b: {  	_ =	shalt  }
0x7c: {  	_ =	shalt  }
0x7d: {  	_ =	shalt  }
0x7e: {  	_ =	shalt  }
0x7f: {  	_ =	shalt  }
0x80: {  	_ =	shalt  }
0x81: {  	_ =	shalt  }
0x82: {  	_ =	shalt  }
0x83: {  	_ =	shalt  }
0x84: {  	_ =	shalt  }
0x85: {  	_ =	shalt  }
0x86: {  	_ =	shalt  }
0x87: {  	_ =	shalt  }
.Lfunc_end0:
.L_simem_size_0:
called_computation_lowered:
.L_overlay_start_0:
0x88: {  	s2 =	sld [smem:$0x3FD9]  }
0x89: {  	s3 =	sld [smem:$0x3FFE];
	_ =	sdelay $0x1  }
0x8a: {  	s1 =	srdreg.scid  }
0x8b: {  	s0 =	sand.u32 $0x1, s1  }
0x8c: {  	s16 =	sshll.u32 s0, $0xA;
	s2 =	sadd.s32 s3, s2  }
0x8d: {  	s2 =	sadd.s32 s2, s16  }
0x8e: {  	[smem:$0x3FC0] =	sst s2  }
0x8f: {  	_ = 	snop  }
0x90: {  	(tm) =	ssettm $0x1  }
0x91: {  	s17 =	sld [smem:$0x3FFB];
	_ =	sdelay $0x3  }
0x92: {  	_ =	strace s17  }
0x93: {  	s2 =	sld [smem:$0x3FFC];
	_ =	sdelay $0x3  }
0x94: {  	_ =	strace s2  }
0x95: {  	s2 =	sld [smem:$0x3FFD];
	_ =	sdelay $0x3  }
0x96: {  	_ =	strace s2  }
0x97: {  	_ =	strace $0x8FFFFFFF  }
0x98: {  	s18 =	sld [smem:$0x3FDB];
	_ =	sdelay $0x1  }
0x99: {  	s19 =	simm.s32 $_scs_section_size  }
0x9a: {  	s4 =	simm.s32 $_size__tile_overlayer_lowered;
	s5 =	simm.s32 $_tile_overlayer_lowered  }
0x9b: {  	s22 =	simm.s32 $0x1BFF;
	s21 =	sshll.u32 s5, $0x1;
	s2 =	sadd.s32 s19, s18  }
0x9c: {  	s6 =	simm.s32 $0x0;
	s20 =	sshll.u32 s4, $0x1;
	s4 =	sadd.s32 s21, s2  }
0x9d: {  	[timem:s6], [sflag:s22] =	dma.local [hbm:s4], s20  }
0x9e: {  	_ =	swait.ge [sflag:s22], s20  }
0x9f: {  	s3 =	ssub.s32 $0x0, s20;
	[sflag:s22] =	ssyncset.done $0x0  }
0xa0: {  	[sflag:s22] =	ssyncadd.s32 s3;
	_ =	sdelay $0x1  }
0xa1: {  	s23 =	simm.s32 $0x1B8B  }
0xa2: {  	_ =	swait.ge [sflag:s23], $0x1  }
0xa3: {  	[sflag:s23] =	ssyncset.done $0x0  }
0xa4: {  	s25 =	simm.s32 $0x1B8E;
	s24 =	sld [smem:$0x3FFE];
	[sflag:s23] =	ssyncadd.s32 $0xFFFFFFFF  }
0xa5: {  	s26 =	simm.s32 $execute0_lowered;
	[smem:$0x3FD2] =	sst s25  }
0xa6: {  	s4 =	sshll.u32 s26, $0x1;
	_ =	strace $0x80000046;
	[dreg:$0x1] =	wrdreg $0xFFFFFFFF  }
0xa7: {  	s28 =	simm.s32 $_size_execute0_lowered;
	s2 =	sadd.s32 s2, s4;
	[dreg:$0x0] =	wrdreg $0x0  }
0xa8: {  	s4 =	sshll.u32 s28, $0x1;
	[dreg:$0x2] =	wrdreg s2  }
0xa9: {  	[dreg:$0x3] =	wrdreg s4  }
0xaa: {  	[dreg:$0x4] =	wrdreg $0xC0  }
0xab: {  	_ =	task [dreg:s6], $0x5FFFF  }
0xac: {  	[dreg:$0x1] =	wrdreg $0xFFFFFFFF  }
0xad: {  	[dreg:$0x0] =	wrdreg $0x60  }
0xae: {  	[dreg:$0x2] =	wrdreg s24  }
0xaf: {  	[dreg:$0x3] =	wrdreg $0x9  }
0xb0: {  	_ =	task.clear_ibuf [dreg:s6], $0x4FFFF;
	_ =	strace $0x90000046  }
0xb1: {  	s29 =	simm.s32 $0x9;
	_ =	strace $0x80000048  }
0xb2: {  	_ =	swait.ge [sflag:s29], $0x1  }
0xb3: {  	[sflag:s29] =	ssyncadd.s32 $0xFFFFFFFF  }
0xb4: {  	_ =	strace $0x90000048  }
0xb5: {  	_ =	sfence  }
0xb6: {  	s30 =	sld [smem:$0x0];
	_ =	sdelay $0x2  }
0xb7: {  	s31 =	sshll.u32 s1, $0xD;
	s1 =	sshrl.u32 s1, $0x2  }
0xb8: {  	s3 =	sand.u32 $0x4000, s31;
	s1 =	sadd.s32 s1, s30  }
0xb9: {  	s0 =	sor.u32 s3, s0;
	s1 =	sshll.u32 s1, $0x11  }
0xba: {  	s0 =	sor.u32 s1, s0  }
0xbb: {  	s0 =	sadd.s32 $0x8F2B, s0  }
0xbc: {  	[sflag:s0] =	ssyncadd.remote.s32 $0x1  }
0xbd: {  	_ =	sfence.sel $0xFFFF  }
0xbe: {  	[dreg:$0x0] =	wrdreg $0xFFFFFFFF;
	(pc) =	sbr.abs _section_cstart, $3  }
0xbf: {  	[dreg:$0x1] =	wrdreg $0xFFFFFFFF  }
0xc0: {  	_ =	task.clear_ibuf [dreg:s6], $0x2FFFF;
	_ =	strace $0x9FFFFFFF  }
0xc1: {  	(tm) =	ssettm $0x7FFFFFFF  }
tec
execute0_lowered:
.L_overlay_start_1:
0x0: {  	(tag) =	ssettag $0x1  }
0x1: {  	s1 =	srdreg.scid;
	s0 =	stileid.u32  }
0x2: {  	s3 =	rddreg [dreg:$0x0];
	s8 =	simm.s32 $0x80;
	s9 =	simm.s32 $0x400  }
0x3: {  	s4 =	sand.u32 $0x1, s1;
	s2 =	sshll.u32 s0, $0x1;
	s1 =	rddreg [dreg:$0x1]  }
0x4: {  	s6 =	sshrl.u32 s0, $0x2;
	s5 =	sor.u32 s4, s2;
	s2 =	simm.s32 $0x0  }
0x5: {  	s6 =	smul.u32 $0x14000, s6;
	s4 =	ssub.s32 $0x2, s4;
	s7 =	sshll.u32 s5, $0x7  }
0x6: {  	[smem:$0x7FF] =	sst s2;
	s5 =	smul.u32 $0x500, s5;
	s7 =	sand.u32 $0x380, s7  }
0x7: {  	s31 =	sshrl.u32 s4, $0x1;
	_ =	strace $0x80000047;
	s6 =	sor.u32 s6, s7  }
0x8: {  	s5 =	sadd.s32 s5, s3;
	s7 =	ssub.s32 s4, s31;
	s6 =	sshrl.u32 s6, $0x3  }
0x9: {  	s6 =	sadd.s32 s6, s3;
	s3 =	sadd.s32 $0x2A00, s5;
	s5 =	smax.u32 s7, $0x1  }
0xa: {  	v0 =	vimm.f32 $0.0e+00;
	v1 =	vimm.f32 $1.000000000e+00;
	s7 =	simm.s32 $0x2800;
	s4 =	sadd.s32 $0x16A00, s6;
	s6 =	simm.s32 $0x1  }
.LBB2_1:
0xb: {  	s10 =	simm.s32 $0x40;
	s11 =	simm.s32 $0x0  }
.LBB2_2:
0xc: {  	p0 =	sne.s32 s10, $0x9FC0;
	[tilespmem:s11+$0x2800] =	vst v0;
	s11 =	smov.u32 s10;
	s10 =	sadd.s32 $0x40, s10  }
.Ltmp0:
0xd: {  	(pc) =	sbr.rel @p0 .LBB2_2-.Ltmp0, $2  }
0xe: {  	_ =	sdelay $0x2  }
0xf: {  	s11 =	sshra.s32 s11, $0x2  }
0x10: {  	[tilespmem:s11+$0x2800] =	vst v0;
	s10 =	simm.s32 $0x0  }
0x11: {  	[tilespmem:s10], [sflag:$0x1] =	stream.linear.gather [hbm4b:s3+s10], $0x2800, $0x38;
	[tilespmem:$0x5000] =	vst v63  }
0x12: {  	s31 =	sand.u32 $0xFE00, s10;
	_ =	swait.ge [sflag:s6], $0x2800  }
0x13: {  	s10 =	sand.u32 $0x70, s10;
	s11 =	sshrl.u32 s31, $0x2;
	[sflag:s6] =	ssyncset.done $0x0  }
0x14: {  	s10 =	sor.u32 s10, s11;
	[sflag:s6] =	ssyncadd.s32 $0xFFFFD800  }
0x15: {  	v2 =	vld [tilespmem:s10+$0x0];
	_ =	sdelay $0x4  }
0x16: {  	s12 =	simm.s32 $0x40  }
0x17: {  	s12 =	sand.u32 $0xFE00, s12;
	s11 =	simm.s32 $0x80;
	s10 =	simm.s32 $0x10  }
.LBB2_4:
0x18: {  	p0 =	sne.s32 s11, $0x9FC0;
	s13 =	sand.u32 $0x70, s10;
	s12 =	sshrl.u32 s12, $0x2  }
0x19: {  	s12 =	sor.u32 s13, s12;
	[tilespmem:v2+s7+$0x0] =	vst.idx.add.f32.msk $0xffff, v1  }
0x1a: {  	v2 =	vld [tilespmem:s12+$0x0];
	_ =	sdelay $0x1  }
.Ltmp1:
0x1b: {  	(pc) =	sbr.rel @p0 .LBB2_4-.Ltmp1, $2  }
0x1c: {  	_ =	sdelay $0x2  }
0x1d: {  	s10 =	sadd.s32 $0x10, s10;
	s12 =	sand.u32 $0xFE00, s11;
	s11 =	sadd.s32 $0x40, s11  }
0x1e: {  	_ =	sdelay $0x2  }
0x1f: {  	s10 =	sand.u32 $0x70, s10;
	s11 =	sshrl.u32 s12, $0x2  }
0x20: {  	[tilespmem:v2+s7+$0x0] =	vst.idx.add.f32.msk $0xffff, v1;
	s10 =	sor.u32 s10, s11  }
0x21: {  	v2 =	vld [tilespmem:s10+$0x0];
	_ =	sdelay $0x5  }
0x22: {  	s2 =	sadd.s32 $0x1, s2  }
0x23: {  	p0 =	sne.s32 s2, s5  }
.Ltmp2:
0x24: {  	[tilespmem:v2+s7+$0x0] =	vst.idx.add.f32.msk $0xffff, v1;
	(pc) =	sbr.rel @p0 .LBB2_1-.Ltmp2, $4  }
0x25: {  	[hbm4b:s4+s8] =	stream.strided.scatter [tilespmem:s7], [sflag:$0x1], $0x2800, s9, s8, $0x38;
	[tilespmem:$0x5000] =	vst v63  }
0x26: {  	_ =	swait.ge [sflag:s6], $0x2800  }
0x27: {  	[sflag:s6] =	ssyncset.done $0x0  }
0x28: {  	[sflag:s6] =	ssyncadd.s32 $0xFFFFD800  }
0x29: {  	_ =	sfence.sel $0x180000  }
0x2a: {  	[bflag:$0x0] =	sbarrier.arrive $0xFFFF  }
0x2b: {  	p0 =	sne.s32 s0, $0x0;
	_ =	strace $0x90000047  }
0x2c: {  	s0 =	sadd.s32 @!p0 $0x100000, s1;
	[bflag:$0x2] =	sbarrier.arrive $0xFFFF  }
0x2d: {  	[sflag:s0] =	ssyncadd.tile.s32 @!p0 $0x1;
	_ =	shalt  }
.Lfunc_end2:
_tile_overlayer_lowered:
.L_overlay_start_2:
0x2e: {  	(tag) =	ssettag $0x2  }
0x2f: {  	s0 =	rddreg [dreg:$0x0];
	s2 =	stileid.u32  }
0x30: {  	s1 =	rddreg [dreg:$0x1];
	p0 =	sne.s32 s2, $0x0  }
0x31: {  	s3 =	rddreg [dreg:$0x2];
	[bflag:$0x3] =	sbarrier.arrive $0xFFFF;
	s2 =	simm.s32 @!p0 $0x1C01  }
0x32: {  	[timem:s3], [sflag:s2] =	dma.local @!p0 [hbm:s0], s1  }
0x33: {  	s0 =	simm.s32 @!p0 $0x1  }
0x34: {  	_ =	swait.ge @!p0 [sflag:s0], s1  }
0x35: {  	s1 =	ssub.s32 @!p0 $0x0, s1;
	[sflag:s0] =	ssyncset.done @!p0 $0x0  }
0x36: {  	[sflag:s0] =	ssyncadd.s32 @!p0 s1  }
0x37: {  	[bflag:$0x3] =	sbarrier.arrive $0xFFFF  }
0x38: {  	_ =	shalt  }

</sc_bundles>
